<compile_context>
chip_gen: v7x
topology: tpu7x:2x2x1
jax: 0.10.2.dev20260603
libtpu: 0.0.44.dev20260713+nightly
codegen_flags: <defaults>
</compile_context>

<pallas_src>
import jax
import jax.numpy as jnp
from jax import lax
from jax.experimental import pallas as pl
from jax.experimental.pallas import tpu as pltpu
from jax.experimental.pallas import tpu_sc as plsc

_ROWS = 8192
_COLS = 3072
_NC = 2
_NS = 16
_NW = _NC * _NS
_RPW = _ROWS // _NW
_RBLK = 8
_NBLK = _RPW // _RBLK
_NITER = _NBLK // 2
_JCH = _COLS // 16


def _shuffle_body(in_hbm, perm_hbm, out_hbm, perm_v,
                  in0, in1, out0, out1,
                  sem_in0, sem_in1, sem_out0, sem_out1):
    c = lax.axis_index("c")
    s = lax.axis_index("s")
    wid = s * _NC + c
    row0 = wid * _RPW

    in_bufs = (in0, in1)
    out_bufs = (out0, out1)
    in_sems = (sem_in0, sem_in1)
    out_sems = (sem_out0, sem_out1)

    def in_copy(b, ki):
        return pltpu.make_async_copy(
            in_hbm.at[pl.ds(row0 + b * _RBLK, _RBLK), :], in_bufs[ki],
            in_sems[ki])

    def out_copy(b, ko):
        return pltpu.make_async_copy(
            out_bufs[ko], out_hbm.at[pl.ds(row0 + b * _RBLK, _RBLK), :],
            out_sems[ko])

    def gather_block(k):
        @plsc.parallel_loop(0, _JCH, unroll=4)
        def jloop(j):
            idx = perm_v[pl.ds(j * 16, 16)]
            off = j * 16
            for r in range(_RBLK):
                vals = plsc.load_gather(
                    in_bufs[k], [jnp.full((16,), r, jnp.int32), idx])
                out_bufs[k][r, pl.ds(off, 16)] = vals

    in_copy(0, 0).start()
    in_copy(1, 1).start()
    pltpu.sync_copy(perm_hbm, perm_v)

    def biter(i, carry):
        for k in range(2):
            b = i * 2 + k
            in_copy(b, k).wait()

            @pl.when(i > 0)
            def _():
                out_copy(b, k).wait()

            gather_block(k)

            @pl.when(i < _NITER - 1)
            def _():
                in_copy(b + 2, k).start()

            out_copy(b, k).start()
        return carry

    lax.fori_loop(0, _NITER, biter, 0)

    out_copy(_NBLK - 2, 0).wait()
    out_copy(_NBLK - 1, 1).wait()


_shuffle = pl.kernel(
    _shuffle_body,
    out_type=jax.ShapeDtypeStruct((_ROWS, _COLS), jnp.float32),
    mesh=plsc.VectorSubcoreMesh(core_axis_name="c", subcore_axis_name="s"),
    scratch_types=[
        pltpu.VMEM((_COLS,), jnp.int32),
        pltpu.VMEM((_RBLK, _COLS), jnp.float32),
        pltpu.VMEM((_RBLK, _COLS), jnp.float32),
        pltpu.VMEM((_RBLK, _COLS), jnp.float32),
        pltpu.VMEM((_RBLK, _COLS), jnp.float32),
        pltpu.SemaphoreType.DMA,
        pltpu.SemaphoreType.DMA,
        pltpu.SemaphoreType.DMA,
        pltpu.SemaphoreType.DMA,
    ],
    compiler_params=pltpu.CompilerParams(needs_layout_passes=False),
)


def kernel(inputs, perm):
    perm_i = perm.astype(jnp.int32)
    out = _shuffle(inputs, perm_i)
    logdet = jnp.zeros((inputs.shape[0], 1), dtype=jnp.float32)
    return out, logdet

# --- scband reference (transcript-rebuilt; emitter-appended) ---
"""Pipeline reference for scband-shuffle-74990128988449 (READ-ONLY COPY).

The authoritative reference and input builder live on the scoring server;
editing this copy changes nothing except your own understanding.
"""

import jax, jax.numpy as jnp
import numpy as np

NUM_INPUTS = 3072
BATCH = 8192

def setup_inputs(seed: int = 0) -> dict:
    key = jax.random.key(seed)
    k1, k2 = jax.random.split(key)
    inputs = jax.random.normal(k1, (BATCH, NUM_INPUTS), dtype=jnp.float32)
    # fixed random permutation created at module init time
    perm = jnp.asarray(np.random.RandomState(0).permutation(NUM_INPUTS), dtype=jnp.int64)
    return {"inputs": inputs, "perm": perm}

def reference(inputs, perm):
    # mode='direct': gather columns according to perm
    batch_size = inputs.shape[0]
    out = jnp.take(inputs, perm, axis=1)
    logdet = jnp.zeros((batch_size, 1), dtype=jnp.float32)
    return (out, logdet)

if __name__ == "__main__":
    import jax
    _d = setup_inputs()
    print(jax.jit(kernel)(*tuple(_d.values())))

</pallas_src>

<mosaic_0001>
#map = affine_map<(d0, d1) -> (0, 0)>
#map1 = affine_map<(d0, d1) -> (0)>
module attributes {stable_mosaic.version = 14 : i64} {
  func.func @_shuffle_body(%arg0: i32, %arg1: i32, %arg2: memref<8192x3072xf32, #tpu.memory_space<hbm>>, %arg3: memref<3072xi32, #tpu.memory_space<hbm>>, %arg4: memref<8192x3072xf32, #tpu.memory_space<hbm>>, %arg5: memref<3072xi32, #tpu.memory_space<vmem>>, %arg6: memref<8x3072xf32, #tpu.memory_space<vmem>>, %arg7: memref<8x3072xf32, #tpu.memory_space<vmem>>, %arg8: memref<8x3072xf32, #tpu.memory_space<vmem>>, %arg9: memref<8x3072xf32, #tpu.memory_space<vmem>>, %arg10: memref<!tpu.dma_semaphore, #tpu.memory_space<semaphore_mem>>, %arg11: memref<!tpu.dma_semaphore, #tpu.memory_space<semaphore_mem>>, %arg12: memref<!tpu.dma_semaphore, #tpu.memory_space<semaphore_mem>>, %arg13: memref<!tpu.dma_semaphore, #tpu.memory_space<semaphore_mem>>) attributes {dimension_semantics = [#tpu.dimension_semantics<core_parallel>, #tpu.dimension_semantics<subcore_parallel>], iteration_bounds = array<i64: 2, 16>, scalar_prefetch = 0 : i64, scratch_operands = 9 : i64, tpu.core_type = #tpu.core_type<sc_vector_subcore>, window_params = [{transform_indices = #map}, {transform_indices = #map1}, {transform_indices = #map}]} {
    %mul3A = arith.constant 2 : i32
    %mul3A_0 = arith.muli %arg1, %mul3A : i32
    %add3A = arith.addi %mul3A_0, %arg0 : i32
    %mul3A_1 = arith.constant 256 : i32
    %mul3A_2 = arith.muli %add3A, %mul3A_1 : i32
    %add3A_3 = arith.constant 0 : i32
    %add3A_4 = arith.addi %mul3A_2, %add3A_3 : i32
    %dma_start3A = arith.constant 0 : i32
    %dma_start3A_5 = tpu.memref_slice %arg2[%add3A_4, %dma_start3A] : memref<8192x3072xf32, #tpu.memory_space<hbm>> -> memref<8x3072xf32, #tpu.memory_space<hbm>>
    %dma_start3A_6 = arith.constant 0 : i32
    %dma_start3A_7 = tpu.memref_slice %arg2[%add3A_4, %dma_start3A_6] : memref<8192x3072xf32, #tpu.memory_space<hbm>> -> memref<8x3072xf32, #tpu.memory_space<hbm>>
    tpu.enqueue_dma source(%dma_start3A_7 : memref<8x3072xf32, #tpu.memory_space<hbm>>) target(%arg6 : memref<8x3072xf32, #tpu.memory_space<vmem>>) target_semaphore(%arg10 : memref<!tpu.dma_semaphore, #tpu.memory_space<semaphore_mem>>)
    %add3A_8 = arith.constant 8 : i32
    %add3A_9 = arith.addi %mul3A_2, %add3A_8 : i32
    %dma_start3A_10 = arith.constant 0 : i32
    %dma_start3A_11 = tpu.memref_slice %arg2[%add3A_9, %dma_start3A_10] : memref<8192x3072xf32, #tpu.memory_space<hbm>> -> memref<8x3072xf32, #tpu.memory_space<hbm>>
    %dma_start3A_12 = arith.constant 0 : i32
    %dma_start3A_13 = tpu.memref_slice %arg2[%add3A_9, %dma_start3A_12] : memref<8192x3072xf32, #tpu.memory_space<hbm>> -> memref<8x3072xf32, #tpu.memory_space<hbm>>
    tpu.enqueue_dma source(%dma_start3A_13 : memref<8x3072xf32, #tpu.memory_space<hbm>>) target(%arg7 : memref<8x3072xf32, #tpu.memory_space<vmem>>) target_semaphore(%arg11 : memref<!tpu.dma_semaphore, #tpu.memory_space<semaphore_mem>>)
    "tpu.region"() ({
      %run_scoped3A = tpu.sem_alloc : memref<!tpu.dma_semaphore, #tpu.memory_space<semaphore_mem>>
      tpu.enqueue_dma source(%arg3 : memref<3072xi32, #tpu.memory_space<hbm>>) target(%arg5 : memref<3072xi32, #tpu.memory_space<vmem>>) target_semaphore(%run_scoped3A : memref<!tpu.dma_semaphore, #tpu.memory_space<semaphore_mem>>)
      tpu.wait_dma2 semaphore(%run_scoped3A : memref<!tpu.dma_semaphore, #tpu.memory_space<semaphore_mem>>) src(%arg3 : memref<3072xi32, #tpu.memory_space<hbm>>) dst(%arg5 : memref<3072xi32, #tpu.memory_space<vmem>>)
      tpu.yield
    }) : () -> ()
    %scan3A = arith.constant 0 : i32
    %scan3A_14 = arith.constant 0 : i32
    %scan3A_15 = arith.constant 16 : i32
    %scan3A_16 = arith.addi %scan3A_14, %scan3A_15 : i32
    %scan3A_17 = arith.constant 1 : i32
    scf.for %scan3A_30 = %scan3A_14 to %scan3A_16 step %scan3A_17  : i32 {
      %mul3A_31 = arith.constant 2 : i32
      %mul3A_32 = arith.muli %scan3A_30, %mul3A_31 : i32
      %add3A_33 = arith.constant 0 : i32
      %add3A_34 = arith.addi %mul3A_32, %add3A_33 : i32
      %mul3A_35 = arith.constant 8 : i32
      %mul3A_36 = arith.muli %add3A_34, %mul3A_35 : i32
      %add3A_37 = arith.addi %mul3A_2, %mul3A_36 : i32
      %dma_wait3A_38 = arith.constant 0 : i32
      %dma_wait3A_39 = tpu.memref_slice %arg2[%add3A_37, %dma_wait3A_38] : memref<8192x3072xf32, #tpu.memory_space<hbm>> -> memref<8x3072xf32, #tpu.memory_space<hbm>>
      %dma_wait3A_40 = arith.constant 0 : i32
      %dma_wait3A_41 = tpu.memref_slice %arg2[%add3A_37, %dma_wait3A_40] : memref<8192x3072xf32, #tpu.memory_space<hbm>> -> memref<8x3072xf32, #tpu.memory_space<hbm>>
      tpu.wait_dma2 semaphore(%arg10 : memref<!tpu.dma_semaphore, #tpu.memory_space<semaphore_mem>>) src(%dma_wait3A_41 : memref<8x3072xf32, #tpu.memory_space<hbm>>) dst(%arg6 : memref<8x3072xf32, #tpu.memory_space<vmem>>)
      %gt3A = arith.constant 0 : i32
      %gt3A_42 = arith.cmpi sgt, %scan3A_30, %gt3A : i32
      %convert_element_type3A = arith.extui %gt3A_42 : i1 to i32
      %cond3A = arith.constant 0 : i32
      %cond3A_43 = arith.cmpi ne, %convert_element_type3A, %cond3A : i32
      scf.if %cond3A_43 {
        %mul3A_88 = arith.constant 8 : i32
        %mul3A_89 = arith.muli %add3A_34, %mul3A_88 : i32
        %add3A_90 = arith.addi %mul3A_2, %mul3A_89 : i32
        %dma_wait3A_91 = arith.constant 0 : i32
        %dma_wait3A_92 = tpu.memref_slice %arg4[%add3A_90, %dma_wait3A_91] : memref<8192x3072xf32, #tpu.memory_space<hbm>> -> memref<8x3072xf32, #tpu.memory_space<hbm>>
        %dma_wait3A_93 = arith.constant 0 : i32
        %dma_wait3A_94 = tpu.memref_slice %arg4[%add3A_90, %dma_wait3A_93] : memref<8192x3072xf32, #tpu.memory_space<hbm>> -> memref<8x3072xf32, #tpu.memory_space<hbm>>
        tpu.wait_dma2 semaphore(%arg12 : memref<!tpu.dma_semaphore, #tpu.memory_space<semaphore_mem>>) src(%arg8 : memref<8x3072xf32, #tpu.memory_space<vmem>>) dst(%dma_wait3A_94 : memref<8x3072xf32, #tpu.memory_space<hbm>>)
      } else {
      }
      %parallel_loop3A = arith.constant 0 : i32
      %parallel_loop3A_44 = arith.constant 192 : i32
      %parallel_loop3A_45 = arith.constant 1 : i32
      scf.for %parallel_loop3A_88 = %parallel_loop3A to %parallel_loop3A_44 step %parallel_loop3A_45  : i32 {
        %parallel_loop3A_89 = arith.constant 16 : i32
        %parallel_loop3A_90 = arith.muli %parallel_loop3A_88, %parallel_loop3A_89 : i32
        %parallel_loop3A_91 = arith.index_cast %parallel_loop3A_90 : i32 to index
        %parallel_loop3A_92 = tpu.vector_load %arg5[%parallel_loop3A_91] {strides = array<i32>} : memref<3072xi32, #tpu.memory_space<vmem>>, vector<16xi32>,
        %parallel_loop3A_93 = arith.constant 16 : i32
        %parallel_loop3A_94 = arith.muli %parallel_loop3A_88, %parallel_loop3A_93 : i32
        %parallel_loop3A_95 = arith.constant 0 : i32
        %parallel_loop3A_96 = vector.broadcast %parallel_loop3A_95 : i32 to vector<16xi32>
        %parallel_loop3A_97 = tpu.vector_load_idx %arg6[%parallel_loop3A_96, %parallel_loop3A_92] : memref<8x3072xf32, #tpu.memory_space<vmem>>[vector<16xi32>, vector<16xi32>], vector<16xf32>,
        %parallel_loop3A_98 = arith.constant 0 : i32
        %parallel_loop3A_99 = arith.index_cast %parallel_loop3A_98 : i32 to index
        %parallel_loop3A_100 = arith.index_cast %parallel_loop3A_94 : i32 to index
        %parallel_loop3A_101 = tpu.vector_load %arg8[%parallel_loop3A_99, %parallel_loop3A_100] {strides = array<i32>} : memref<8x3072xf32, #tpu.memory_space<vmem>>, vector<16xf32>,
        tpu.vector_store %arg8[%parallel_loop3A_99, %parallel_loop3A_100], %parallel_loop3A_97 {strides = array<i32>} : memref<8x3072xf32, #tpu.memory_space<vmem>>, vector<16xf32>,
        %parallel_loop3A_102 = arith.constant 1 : i32
        %parallel_loop3A_103 = vector.broadcast %parallel_loop3A_102 : i32 to vector<16xi32>
        %parallel_loop3A_104 = tpu.vector_load_idx %arg6[%parallel_loop3A_103, %parallel_loop3A_92] : memref<8x3072xf32, #tpu.memory_space<vmem>>[vector<16xi32>, vector<16xi32>], vector<16xf32>,
        %parallel_loop3A_105 = arith.constant 1 : i32
        %parallel_loop3A_106 = arith.index_cast %parallel_loop3A_105 : i32 to index
        %parallel_loop3A_107 = arith.index_cast %parallel_loop3A_94 : i32 to index
        %parallel_loop3A_108 = tpu.vector_load %arg8[%parallel_loop3A_106, %parallel_loop3A_107] {strides = array<i32>} : memref<8x3072xf32, #tpu.memory_space<vmem>>, vector<16xf32>,
        tpu.vector_store %arg8[%parallel_loop3A_106, %parallel_loop3A_107], %parallel_loop3A_104 {strides = array<i32>} : memref<8x3072xf32, #tpu.memory_space<vmem>>, vector<16xf32>,
        %parallel_loop3A_109 = arith.constant 2 : i32
        %parallel_loop3A_110 = vector.broadcast %parallel_loop3A_109 : i32 to vector<16xi32>
        %parallel_loop3A_111 = tpu.vector_load_idx %arg6[%parallel_loop3A_110, %parallel_loop3A_92] : memref<8x3072xf32, #tpu.memory_space<vmem>>[vector<16xi32>, vector<16xi32>], vector<16xf32>,
        %parallel_loop3A_112 = arith.constant 2 : i32
        %parallel_loop3A_113 = arith.index_cast %parallel_loop3A_112 : i32 to index
        %parallel_loop3A_114 = arith.index_cast %parallel_loop3A_94 : i32 to index
        %parallel_loop3A_115 = tpu.vector_load %arg8[%parallel_loop3A_113, %parallel_loop3A_114] {strides = array<i32>} : memref<8x3072xf32, #tpu.memory_space<vmem>>, vector<16xf32>,
        tpu.vector_store %arg8[%parallel_loop3A_113, %parallel_loop3A_114], %parallel_loop3A_111 {strides = array<i32>} : memref<8x3072xf32, #tpu.memory_space<vmem>>, vector<16xf32>,
        %parallel_loop3A_116 = arith.constant 3 : i32
        %parallel_loop3A_117 = vector.broadcast %parallel_loop3A_116 : i32 to vector<16xi32>
        %parallel_loop3A_118 = tpu.vector_load_idx %arg6[%parallel_loop3A_117, %parallel_loop3A_92] : memref<8x3072xf32, #tpu.memory_space<vmem>>[vector<16xi32>, vector<16xi32>], vector<16xf32>,
        %parallel_loop3A_119 = arith.constant 3 : i32
        %parallel_loop3A_120 = arith.index_cast %parallel_loop3A_119 : i32 to index
        %parallel_loop3A_121 = arith.index_cast %parallel_loop3A_94 : i32 to index
        %parallel_loop3A_122 = tpu.vector_load %arg8[%parallel_loop3A_120, %parallel_loop3A_121] {strides = array<i32>} : memref<8x3072xf32, #tpu.memory_space<vmem>>, vector<16xf32>,
        tpu.vector_store %arg8[%parallel_loop3A_120, %parallel_loop3A_121], %parallel_loop3A_118 {strides = array<i32>} : memref<8x3072xf32, #tpu.memory_space<vmem>>, vector<16xf32>,
        %parallel_loop3A_123 = arith.constant 4 : i32
        %parallel_loop3A_124 = vector.broadcast %parallel_loop3A_123 : i32 to vector<16xi32>
        %parallel_loop3A_125 = tpu.vector_load_idx %arg6[%parallel_loop3A_124, %parallel_loop3A_92] : memref<8x3072xf32, #tpu.memory_space<vmem>>[vector<16xi32>, vector<16xi32>], vector<16xf32>,
        %parallel_loop3A_126 = arith.constant 4 : i32
        %parallel_loop3A_127 = arith.index_cast %parallel_loop3A_126 : i32 to index
        %parallel_loop3A_128 = arith.index_cast %parallel_loop3A_94 : i32 to index
        %parallel_loop3A_129 = tpu.vector_load %arg8[%parallel_loop3A_127, %parallel_loop3A_128] {strides = array<i32>} : memref<8x3072xf32, #tpu.memory_space<vmem>>, vector<16xf32>,
        tpu.vector_store %arg8[%parallel_loop3A_127, %parallel_loop3A_128], %parallel_loop3A_125 {strides = array<i32>} : memref<8x3072xf32, #tpu.memory_space<vmem>>, vector<16xf32>,
        %parallel_loop3A_130 = arith.constant 5 : i32
        %parallel_loop3A_131 = vector.broadcast %parallel_loop3A_130 : i32 to vector<16xi32>
        %parallel_loop3A_132 = tpu.vector_load_idx %arg6[%parallel_loop3A_131, %parallel_loop3A_92] : memref<8x3072xf32, #tpu.memory_space<vmem>>[vector<16xi32>, vector<16xi32>], vector<16xf32>,
        %parallel_loop3A_133 = arith.constant 5 : i32
        %parallel_loop3A_134 = arith.index_cast %parallel_loop3A_133 : i32 to index
        %parallel_loop3A_135 = arith.index_cast %parallel_loop3A_94 : i32 to index
        %parallel_loop3A_136 = tpu.vector_load %arg8[%parallel_loop3A_134, %parallel_loop3A_135] {strides = array<i32>} : memref<8x3072xf32, #tpu.memory_space<vmem>>, vector<16xf32>,
        tpu.vector_store %arg8[%parallel_loop3A_134, %parallel_loop3A_135], %parallel_loop3A_132 {strides = array<i32>} : memref<8x3072xf32, #tpu.memory_space<vmem>>, vector<16xf32>,
        %parallel_loop3A_137 = arith.constant 6 : i32
        %parallel_loop3A_138 = vector.broadcast %parallel_loop3A_137 : i32 to vector<16xi32>
        %parallel_loop3A_139 = tpu.vector_load_idx %arg6[%parallel_loop3A_138, %parallel_loop3A_92] : memref<8x3072xf32, #tpu.memory_space<vmem>>[vector<16xi32>, vector<16xi32>], vector<16xf32>,
        %parallel_loop3A_140 = arith.constant 6 : i32
        %parallel_loop3A_141 = arith.index_cast %parallel_loop3A_140 : i32 to index
        %parallel_loop3A_142 = arith.index_cast %parallel_loop3A_94 : i32 to index
        %parallel_loop3A_143 = tpu.vector_load %arg8[%parallel_loop3A_141, %parallel_loop3A_142] {strides = array<i32>} : memref<8x3072xf32, #tpu.memory_space<vmem>>, vector<16xf32>,
        tpu.vector_store %arg8[%parallel_loop3A_141, %parallel_loop3A_142], %parallel_loop3A_139 {strides = array<i32>} : memref<8x3072xf32, #tpu.memory_space<vmem>>, vector<16xf32>,
        %parallel_loop3A_144 = arith.constant 7 : i32
        %parallel_loop3A_145 = vector.broadcast %parallel_loop3A_144 : i32 to vector<16xi32>
        %parallel_loop3A_146 = tpu.vector_load_idx %arg6[%parallel_loop3A_145, %parallel_loop3A_92] : memref<8x3072xf32, #tpu.memory_space<vmem>>[vector<16xi32>, vector<16xi32>], vector<16xf32>,
        %parallel_loop3A_147 = arith.constant 7 : i32
        %parallel_loop3A_148 = arith.index_cast %parallel_loop3A_147 : i32 to index
        %parallel_loop3A_149 = arith.index_cast %parallel_loop3A_94 : i32 to index
        %parallel_loop3A_150 = tpu.vector_load %arg8[%parallel_loop3A_148, %parallel_loop3A_149] {strides = array<i32>} : memref<8x3072xf32, #tpu.memory_space<vmem>>, vector<16xf32>,
        tpu.vector_store %arg8[%parallel_loop3A_148, %parallel_loop3A_149], %parallel_loop3A_146 {strides = array<i32>} : memref<8x3072xf32, #tpu.memory_space<vmem>>, vector<16xf32>,
      } {sc.loop_unroll_factor = 4 : i64, sc.parallel_access}
      %lt3A = arith.constant 15 : i32
      %lt3A_46 = arith.cmpi slt, %scan3A_30, %lt3A : i32
      %convert_element_type3A_47 = arith.extui %lt3A_46 : i1 to i32
      %cond3A_48 = arith.constant 0 : i32
      %cond3A_49 = arith.cmpi ne, %convert_element_type3A_47, %cond3A_48 : i32
      scf.if %cond3A_49 {
        %add3A_88 = arith.constant 2 : i32
        %add3A_89 = arith.addi %add3A_34, %add3A_88 : i32
        %mul3A_90 = arith.constant 8 : i32
        %mul3A_91 = arith.muli %add3A_89, %mul3A_90 : i32
        %add3A_92 = arith.addi %mul3A_2, %mul3A_91 : i32
        %dma_start3A_93 = arith.constant 0 : i32
        %dma_start3A_94 = tpu.memref_slice %arg2[%add3A_92, %dma_start3A_93] : memref<8192x3072xf32, #tpu.memory_space<hbm>> -> memref<8x3072xf32, #tpu.memory_space<hbm>>
        %dma_start3A_95 = arith.constant 0 : i32
        %dma_start3A_96 = tpu.memref_slice %arg2[%add3A_92, %dma_start3A_95] : memref<8192x3072xf32, #tpu.memory_space<hbm>> -> memref<8x3072xf32, #tpu.memory_space<hbm>>
        tpu.enqueue_dma source(%dma_start3A_96 : memref<8x3072xf32, #tpu.memory_space<hbm>>) target(%arg6 : memref<8x3072xf32, #tpu.memory_space<vmem>>) target_semaphore(%arg10 : memref<!tpu.dma_semaphore, #tpu.memory_space<semaphore_mem>>)
      } else {
      }
      %mul3A_50 = arith.constant 8 : i32
      %mul3A_51 = arith.muli %add3A_34, %mul3A_50 : i32
      %add3A_52 = arith.addi %mul3A_2, %mul3A_51 : i32
      %dma_start3A_53 = arith.constant 0 : i32
      %dma_start3A_54 = tpu.memref_slice %arg4[%add3A_52, %dma_start3A_53] : memref<8192x3072xf32, #tpu.memory_space<hbm>> -> memref<8x3072xf32, #tpu.memory_space<hbm>>
      %dma_start3A_55 = arith.constant 0 : i32
      %dma_start3A_56 = tpu.memref_slice %arg4[%add3A_52, %dma_start3A_55] : memref<8192x3072xf32, #tpu.memory_space<hbm>> -> memref<8x3072xf32, #tpu.memory_space<hbm>>
      tpu.enqueue_dma source(%arg8 : memref<8x3072xf32, #tpu.memory_space<vmem>>) target(%dma_start3A_56 : memref<8x3072xf32, #tpu.memory_space<hbm>>) target_semaphore(%arg12 : memref<!tpu.dma_semaphore, #tpu.memory_space<semaphore_mem>>)
      %mul3A_57 = arith.constant 2 : i32
      %mul3A_58 = arith.muli %scan3A_30, %mul3A_57 : i32
      %add3A_59 = arith.constant 1 : i32
      %add3A_60 = arith.addi %mul3A_58, %add3A_59 : i32
      %mul3A_61 = arith.constant 8 : i32
      %mul3A_62 = arith.muli %add3A_60, %mul3A_61 : i32
      %add3A_63 = arith.addi %mul3A_2, %mul3A_62 : i32
      %dma_wait3A_64 = arith.constant 0 : i32
      %dma_wait3A_65 = tpu.memref_slice %arg2[%add3A_63, %dma_wait3A_64] : memref<8192x3072xf32, #tpu.memory_space<hbm>> -> memref<8x3072xf32, #tpu.memory_space<hbm>>
      %dma_wait3A_66 = arith.constant 0 : i32
      %dma_wait3A_67 = tpu.memref_slice %arg2[%add3A_63, %dma_wait3A_66] : memref<8192x3072xf32, #tpu.memory_space<hbm>> -> memref<8x3072xf32, #tpu.memory_space<hbm>>
      tpu.wait_dma2 semaphore(%arg11 : memref<!tpu.dma_semaphore, #tpu.memory_space<semaphore_mem>>) src(%dma_wait3A_67 : memref<8x3072xf32, #tpu.memory_space<hbm>>) dst(%arg7 : memref<8x3072xf32, #tpu.memory_space<vmem>>)
      %gt3A_68 = arith.constant 0 : i32
      %gt3A_69 = arith.cmpi sgt, %scan3A_30, %gt3A_68 : i32
      %convert_element_type3A_70 = arith.extui %gt3A_69 : i1 to i32
      %cond3A_71 = arith.constant 0 : i32
      %cond3A_72 = arith.cmpi ne, %convert_element_type3A_70, %cond3A_71 : i32
      scf.if %cond3A_72 {
        %mul3A_88 = arith.constant 8 : i32
        %mul3A_89 = arith.muli %add3A_60, %mul3A_88 : i32
        %add3A_90 = arith.addi %mul3A_2, %mul3A_89 : i32
        %dma_wait3A_91 = arith.constant 0 : i32
        %dma_wait3A_92 = tpu.memref_slice %arg4[%add3A_90, %dma_wait3A_91] : memref<8192x3072xf32, #tpu.memory_space<hbm>> -> memref<8x3072xf32, #tpu.memory_space<hbm>>
        %dma_wait3A_93 = arith.constant 0 : i32
        %dma_wait3A_94 = tpu.memref_slice %arg4[%add3A_90, %dma_wait3A_93] : memref<8192x3072xf32, #tpu.memory_space<hbm>> -> memref<8x3072xf32, #tpu.memory_space<hbm>>
        tpu.wait_dma2 semaphore(%arg13 : memref<!tpu.dma_semaphore, #tpu.memory_space<semaphore_mem>>) src(%arg9 : memref<8x3072xf32, #tpu.memory_space<vmem>>) dst(%dma_wait3A_94 : memref<8x3072xf32, #tpu.memory_space<hbm>>)
      } else {
      }
      %parallel_loop3A_73 = arith.constant 0 : i32
      %parallel_loop3A_74 = arith.constant 192 : i32
      %parallel_loop3A_75 = arith.constant 1 : i32
      scf.for %parallel_loop3A_88 = %parallel_loop3A_73 to %parallel_loop3A_74 step %parallel_loop3A_75  : i32 {
        %parallel_loop3A_89 = arith.constant 16 : i32
        %parallel_loop3A_90 = arith.muli %parallel_loop3A_88, %parallel_loop3A_89 : i32
        %parallel_loop3A_91 = arith.index_cast %parallel_loop3A_90 : i32 to index
        %parallel_loop3A_92 = tpu.vector_load %arg5[%parallel_loop3A_91] {strides = array<i32>} : memref<3072xi32, #tpu.memory_space<vmem>>, vector<16xi32>,
        %parallel_loop3A_93 = arith.constant 16 : i32
        %parallel_loop3A_94 = arith.muli %parallel_loop3A_88, %parallel_loop3A_93 : i32
        %parallel_loop3A_95 = arith.constant 0 : i32
        %parallel_loop3A_96 = vector.broadcast %parallel_loop3A_95 : i32 to vector<16xi32>
        %parallel_loop3A_97 = tpu.vector_load_idx %arg7[%parallel_loop3A_96, %parallel_loop3A_92] : memref<8x3072xf32, #tpu.memory_space<vmem>>[vector<16xi32>, vector<16xi32>], vector<16xf32>,
        %parallel_loop3A_98 = arith.constant 0 : i32
        %parallel_loop3A_99 = arith.index_cast %parallel_loop3A_98 : i32 to index
        %parallel_loop3A_100 = arith.index_cast %parallel_loop3A_94 : i32 to index
        %parallel_loop3A_101 = tpu.vector_load %arg9[%parallel_loop3A_99, %parallel_loop3A_100] {strides = array<i32>} : memref<8x3072xf32, #tpu.memory_space<vmem>>, vector<16xf32>,
        tpu.vector_store %arg9[%parallel_loop3A_99, %parallel_loop3A_100], %parallel_loop3A_97 {strides = array<i32>} : memref<8x3072xf32, #tpu.memory_space<vmem>>, vector<16xf32>,
        %parallel_loop3A_102 = arith.constant 1 : i32
        %parallel_loop3A_103 = vector.broadcast %parallel_loop3A_102 : i32 to vector<16xi32>
        %parallel_loop3A_104 = tpu.vector_load_idx %arg7[%parallel_loop3A_103, %parallel_loop3A_92] : memref<8x3072xf32, #tpu.memory_space<vmem>>[vector<16xi32>, vector<16xi32>], vector<16xf32>,
        %parallel_loop3A_105 = arith.constant 1 : i32
        %parallel_loop3A_106 = arith.index_cast %parallel_loop3A_105 : i32 to index
        %parallel_loop3A_107 = arith.index_cast %parallel_loop3A_94 : i32 to index
        %parallel_loop3A_108 = tpu.vector_load %arg9[%parallel_loop3A_106, %parallel_loop3A_107] {strides = array<i32>} : memref<8x3072xf32, #tpu.memory_space<vmem>>, vector<16xf32>,
        tpu.vector_store %arg9[%parallel_loop3A_106, %parallel_loop3A_107], %parallel_loop3A_104 {strides = array<i32>} : memref<8x3072xf32, #tpu.memory_space<vmem>>, vector<16xf32>,
        %parallel_loop3A_109 = arith.constant 2 : i32
        %parallel_loop3A_110 = vector.broadcast %parallel_loop3A_109 : i32 to vector<16xi32>
        %parallel_loop3A_111 = tpu.vector_load_idx %arg7[%parallel_loop3A_110, %parallel_loop3A_92] : memref<8x3072xf32, #tpu.memory_space<vmem>>[vector<16xi32>, vector<16xi32>], vector<16xf32>,
        %parallel_loop3A_112 = arith.constant 2 : i32
        %parallel_loop3A_113 = arith.index_cast %parallel_loop3A_112 : i32 to index
        %parallel_loop3A_114 = arith.index_cast %parallel_loop3A_94 : i32 to index
        %parallel_loop3A_115 = tpu.vector_load %arg9[%parallel_loop3A_113, %parallel_loop3A_114] {strides = array<i32>} : memref<8x3072xf32, #tpu.memory_space<vmem>>, vector<16xf32>,
        tpu.vector_store %arg9[%parallel_loop3A_113, %parallel_loop3A_114], %parallel_loop3A_111 {strides = array<i32>} : memref<8x3072xf32, #tpu.memory_space<vmem>>, vector<16xf32>,
        %parallel_loop3A_116 = arith.constant 3 : i32
        %parallel_loop3A_117 = vector.broadcast %parallel_loop3A_116 : i32 to vector<16xi32>
        %parallel_loop3A_118 = tpu.vector_load_idx %arg7[%parallel_loop3A_117, %parallel_loop3A_92] : memref<8x3072xf32, #tpu.memory_space<vmem>>[vector<16xi32>, vector<16xi32>], vector<16xf32>,
        %parallel_loop3A_119 = arith.constant 3 : i32
        %parallel_loop3A_120 = arith.index_cast %parallel_loop3A_119 : i32 to index
        %parallel_loop3A_121 = arith.index_cast %parallel_loop3A_94 : i32 to index
        %parallel_loop3A_122 = tpu.vector_load %arg9[%parallel_loop3A_120, %parallel_loop3A_121] {strides = array<i32>} : memref<8x3072xf32, #tpu.memory_space<vmem>>, vector<16xf32>,
        tpu.vector_store %arg9[%parallel_loop3A_120, %parallel_loop3A_121], %parallel_loop3A_118 {strides = array<i32>} : memref<8x3072xf32, #tpu.memory_space<vmem>>, vector<16xf32>,
        %parallel_loop3A_123 = arith.constant 4 : i32
        %parallel_loop3A_124 = vector.broadcast %parallel_loop3A_123 : i32 to vector<16xi32>
        %parallel_loop3A_125 = tpu.vector_load_idx %arg7[%parallel_loop3A_124, %parallel_loop3A_92] : memref<8x3072xf32, #tpu.memory_space<vmem>>[vector<16xi32>, vector<16xi32>], vector<16xf32>,
        %parallel_loop3A_126 = arith.constant 4 : i32
        %parallel_loop3A_127 = arith.index_cast %parallel_loop3A_126 : i32 to index
        %parallel_loop3A_128 = arith.index_cast %parallel_loop3A_94 : i32 to index
        %parallel_loop3A_129 = tpu.vector_load %arg9[%parallel_loop3A_127, %parallel_loop3A_128] {strides = array<i32>} : memref<8x3072xf32, #tpu.memory_space<vmem>>, vector<16xf32>,
        tpu.vector_store %arg9[%parallel_loop3A_127, %parallel_loop3A_128], %parallel_loop3A_125 {strides = array<i32>} : memref<8x3072xf32, #tpu.memory_space<vmem>>, vector<16xf32>,
        %parallel_loop3A_130 = arith.constant 5 : i32
        %parallel_loop3A_131 = vector.broadcast %parallel_loop3A_130 : i32 to vector<16xi32>
        %parallel_loop3A_132 = tpu.vector_load_idx %arg7[%parallel_loop3A_131, %parallel_loop3A_92] : memref<8x3072xf32, #tpu.memory_space<vmem>>[vector<16xi32>, vector<16xi32>], vector<16xf32>,
        %parallel_loop3A_133 = arith.constant 5 : i32
        %parallel_loop3A_134 = arith.index_cast %parallel_loop3A_133 : i32 to index
        %parallel_loop3A_135 = arith.index_cast %parallel_loop3A_94 : i32 to index
        %parallel_loop3A_136 = tpu.vector_load %arg9[%parallel_loop3A_134, %parallel_loop3A_135] {strides = array<i32>} : memref<8x3072xf32, #tpu.memory_space<vmem>>, vector<16xf32>,
        tpu.vector_store %arg9[%parallel_loop3A_134, %parallel_loop3A_135], %parallel_loop3A_132 {strides = array<i32>} : memref<8x3072xf32, #tpu.memory_space<vmem>>, vector<16xf32>,
        %parallel_loop3A_137 = arith.constant 6 : i32
        %parallel_loop3A_138 = vector.broadcast %parallel_loop3A_137 : i32 to vector<16xi32>
        %parallel_loop3A_139 = tpu.vector_load_idx %arg7[%parallel_loop3A_138, %parallel_loop3A_92] : memref<8x3072xf32, #tpu.memory_space<vmem>>[vector<16xi32>, vector<16xi32>], vector<16xf32>,
        %parallel_loop3A_140 = arith.constant 6 : i32
        %parallel_loop3A_141 = arith.index_cast %parallel_loop3A_140 : i32 to index
        %parallel_loop3A_142 = arith.index_cast %parallel_loop3A_94 : i32 to index
        %parallel_loop3A_143 = tpu.vector_load %arg9[%parallel_loop3A_141, %parallel_loop3A_142] {strides = array<i32>} : memref<8x3072xf32, #tpu.memory_space<vmem>>, vector<16xf32>,
        tpu.vector_store %arg9[%parallel_loop3A_141, %parallel_loop3A_142], %parallel_loop3A_139 {strides = array<i32>} : memref<8x3072xf32, #tpu.memory_space<vmem>>, vector<16xf32>,
        %parallel_loop3A_144 = arith.constant 7 : i32
        %parallel_loop3A_145 = vector.broadcast %parallel_loop3A_144 : i32 to vector<16xi32>
        %parallel_loop3A_146 = tpu.vector_load_idx %arg7[%parallel_loop3A_145, %parallel_loop3A_92] : memref<8x3072xf32, #tpu.memory_space<vmem>>[vector<16xi32>, vector<16xi32>], vector<16xf32>,
        %parallel_loop3A_147 = arith.constant 7 : i32
        %parallel_loop3A_148 = arith.index_cast %parallel_loop3A_147 : i32 to index
        %parallel_loop3A_149 = arith.index_cast %parallel_loop3A_94 : i32 to index
        %parallel_loop3A_150 = tpu.vector_load %arg9[%parallel_loop3A_148, %parallel_loop3A_149] {strides = array<i32>} : memref<8x3072xf32, #tpu.memory_space<vmem>>, vector<16xf32>,
        tpu.vector_store %arg9[%parallel_loop3A_148, %parallel_loop3A_149], %parallel_loop3A_146 {strides = array<i32>} : memref<8x3072xf32, #tpu.memory_space<vmem>>, vector<16xf32>,
      } {sc.loop_unroll_factor = 4 : i64, sc.parallel_access}
      %lt3A_76 = arith.constant 15 : i32
      %lt3A_77 = arith.cmpi slt, %scan3A_30, %lt3A_76 : i32
      %convert_element_type3A_78 = arith.extui %lt3A_77 : i1 to i32
      %cond3A_79 = arith.constant 0 : i32
      %cond3A_80 = arith.cmpi ne, %convert_element_type3A_78, %cond3A_79 : i32
      scf.if %cond3A_80 {
        %add3A_88 = arith.constant 2 : i32
        %add3A_89 = arith.addi %add3A_60, %add3A_88 : i32
        %mul3A_90 = arith.constant 8 : i32
        %mul3A_91 = arith.muli %add3A_89, %mul3A_90 : i32
        %add3A_92 = arith.addi %mul3A_2, %mul3A_91 : i32
        %dma_start3A_93 = arith.constant 0 : i32
        %dma_start3A_94 = tpu.memref_slice %arg2[%add3A_92, %dma_start3A_93] : memref<8192x3072xf32, #tpu.memory_space<hbm>> -> memref<8x3072xf32, #tpu.memory_space<hbm>>
        %dma_start3A_95 = arith.constant 0 : i32
        %dma_start3A_96 = tpu.memref_slice %arg2[%add3A_92, %dma_start3A_95] : memref<8192x3072xf32, #tpu.memory_space<hbm>> -> memref<8x3072xf32, #tpu.memory_space<hbm>>
        tpu.enqueue_dma source(%dma_start3A_96 : memref<8x3072xf32, #tpu.memory_space<hbm>>) target(%arg7 : memref<8x3072xf32, #tpu.memory_space<vmem>>) target_semaphore(%arg11 : memref<!tpu.dma_semaphore, #tpu.memory_space<semaphore_mem>>)
      } else {
      }
      %mul3A_81 = arith.constant 8 : i32
      %mul3A_82 = arith.muli %add3A_60, %mul3A_81 : i32
      %add3A_83 = arith.addi %mul3A_2, %mul3A_82 : i32
      %dma_start3A_84 = arith.constant 0 : i32
      %dma_start3A_85 = tpu.memref_slice %arg4[%add3A_83, %dma_start3A_84] : memref<8192x3072xf32, #tpu.memory_space<hbm>> -> memref<8x3072xf32, #tpu.memory_space<hbm>>
      %dma_start3A_86 = arith.constant 0 : i32
      %dma_start3A_87 = tpu.memref_slice %arg4[%add3A_83, %dma_start3A_86] : memref<8192x3072xf32, #tpu.memory_space<hbm>> -> memref<8x3072xf32, #tpu.memory_space<hbm>>
      tpu.enqueue_dma source(%arg9 : memref<8x3072xf32, #tpu.memory_space<vmem>>) target(%dma_start3A_87 : memref<8x3072xf32, #tpu.memory_space<hbm>>) target_semaphore(%arg13 : memref<!tpu.dma_semaphore, #tpu.memory_space<semaphore_mem>>)
    }
    %scan3A_18 = arith.constant 16 : i32
    %add3A_19 = arith.constant 240 : i32
    %add3A_20 = arith.addi %mul3A_2, %add3A_19 : i32
    %dma_wait3A = arith.constant 0 : i32
    %dma_wait3A_21 = tpu.memref_slice %arg4[%add3A_20, %dma_wait3A] : memref<8192x3072xf32, #tpu.memory_space<hbm>> -> memref<8x3072xf32, #tpu.memory_space<hbm>>
    %dma_wait3A_22 = arith.constant 0 : i32
    %dma_wait3A_23 = tpu.memref_slice %arg4[%add3A_20, %dma_wait3A_22] : memref<8192x3072xf32, #tpu.memory_space<hbm>> -> memref<8x3072xf32, #tpu.memory_space<hbm>>
    tpu.wait_dma2 semaphore(%arg12 : memref<!tpu.dma_semaphore, #tpu.memory_space<semaphore_mem>>) src(%arg8 : memref<8x3072xf32, #tpu.memory_space<vmem>>) dst(%dma_wait3A_23 : memref<8x3072xf32, #tpu.memory_space<hbm>>)
    %add3A_24 = arith.constant 248 : i32
    %add3A_25 = arith.addi %mul3A_2, %add3A_24 : i32
    %dma_wait3A_26 = arith.constant 0 : i32
    %dma_wait3A_27 = tpu.memref_slice %arg4[%add3A_25, %dma_wait3A_26] : memref<8192x3072xf32, #tpu.memory_space<hbm>> -> memref<8x3072xf32, #tpu.memory_space<hbm>>
    %dma_wait3A_28 = arith.constant 0 : i32
    %dma_wait3A_29 = tpu.memref_slice %arg4[%add3A_25, %dma_wait3A_28] : memref<8192x3072xf32, #tpu.memory_space<hbm>> -> memref<8x3072xf32, #tpu.memory_space<hbm>>
    tpu.wait_dma2 semaphore(%arg13 : memref<!tpu.dma_semaphore, #tpu.memory_space<semaphore_mem>>) src(%arg9 : memref<8x3072xf32, #tpu.memory_space<vmem>>) dst(%dma_wait3A_29 : memref<8x3072xf32, #tpu.memory_space<hbm>>)
    return
  }
}

</mosaic_0001>

<sc_bundles>
// kernel: kernel.3.cloned.1.call-start
scs
__scs_entry_jumppad:
0x0: {  	(pc) =	sbr.rel $0x88, $3  }
0x1: {  	(tag) =	ssettag $0x0;
	lr =	simm.s32 $0x1  }
0x2: {  	[smem:$0x3F9F] =	sst lr;
	_ =	strace $0xD0000000  }
0x3: {  	_ = 	snop  }
0x4: {  	_ = 	snop  }
0x5: {  	_ = 	snop  }
0x6: {  	_ = 	snop  }
0x7: {  	_ = 	snop  }
__scs_overlays_trampoline_lowered:
0x8: {  	[smem:$0x3FAE] =	sst s0  }
0x9: {  	[smem:$0x3FAF] =	sst s1  }
0xa: {  	[smem:$0x3FB0] =	sst s2  }
0xb: {  	[smem:$0x3FB1] =	sst s3  }
0xc: {  	[smem:$0x3FB2] =	sst s4  }
0xd: {  	[smem:$0x3FB3] =	sst s5  }
0xe: {  	[smem:$0x3FB4] =	sst s6  }
0xf: {  	[smem:$0x3FB5] =	sst s7  }
0x10: {  	[smem:$0x3FB6] =	sst s8  }
0x11: {  	[smem:$0x3FB7] =	sst s9;
	s0 =	simm.s32 @!p0 $0x0  }
0x12: {  	s1 =	sld [smem:$0x3F9D];
	s0 =	simm.s32 @p0 $0x1  }
0x13: {  	[smem:$0x3FB8] =	sst s0;
	s0 =	simm.s32 @!p1 $0x0  }
0x14: {  	s2 =	sld [smem:$0x3F9C];
	s0 =	simm.s32 @p1 $0x1  }
0x15: {  	[smem:$0x3FB9] =	sst s0;
	s0 =	simm.s32 @!p2 $0x0  }
0x16: {  	s3 =	sld [smem:$0x3FDB];
	s0 =	simm.s32 @p2 $0x1  }
0x17: {  	s4 =	simm.s32 $0x1BF5;
	[smem:$0x3FBB] =	sst s0  }
0x18: {  	s0 =	sld [smem:$0x3F9E];
	_ =	swait.ge [sflag:s4], $0x0  }
0x19: {  	s7 =	sld [smem:$0x3F9F]  }
0x1a: {  	s8 =	sadd.s32 $0xFFFFE003, lr  }
0x1b: {  	s9 =	sadd.s32 $0xFFFFFEF7, lr;
	s5 =	simm.s32 $0xFFFFFFFF;
	p2 =	slt.u32 s8, $0xFFFFF086  }
0x1c: {  	p1 =	slt.u32 s9, $0xF7A;
	s5 =	simm.s32 @!p2 $0x0  }
0x1d: {  	s5 =	simm.s32 @p1 $0x1;
	p0 =	seq.s32 s7, s2  }
0x1e: {  	s7 =	smul.u32 @!p0 $0xF7A, s2;
	p2 =	seq.s32 @!p0 s5, $0x0  }
0x1f: {  	s9 =	smul.u32 $0xF7A, s1;
	s8 =	simm.s32 @!p0 $0x1BF5;
	p2 =	por !p2, p0  }
0x20: {  	[sflag:s8] =	ssyncset.s32 @!p0 $0xFFFFF086;
	s6 =	sadd.s32 @!p0 s3, s7;
	s7 =	simm.s32 @!p0 $0x108  }
0x21: {  	s3 =	sadd.s32 s3, s9;
	s6 =	sadd.s32 @!p0 $0x88, s6;
	s7 =	simm.s32 @p2 $0x1082  }
0x22: {  	[simem:s7], [sflag:s8] =	dma.local @!p0 [hbm:s6], $0xF7A  }
0x23: {  	s9 =	sor.u32 $0xD0000000, s2;
	s6 =	simm.s32 $0x108;
	_ =	swait.ge @!p0 [sflag:s8], $0x0  }
0x24: {  	s3 =	sadd.s32 $0x88, s3;
	s6 =	simm.s32 @!p1 $0x1082;
	[sflag:s4] =	ssyncset.s32 $0xFFFFF086  }
0x25: {  	[simem:s6], [sflag:s4] =	dma.local [hbm:s3], $0xF7A  }
0x26: {  	[smem:$0x3F9F] =	sst s1;
	(tag) =	ssettag s2;
	_ =	strace s9  }
0x27: {  	s1 =	sld [smem:$0x3FAF]  }
0x28: {  	s2 =	sld [smem:$0x3FB0]  }
0x29: {  	s4 =	sld [smem:$0x3FB2]  }
0x2a: {  	p0 =	seq.s32 s5, $0x0;
	s5 =	sld [smem:$0x3FB3]  }
0x2b: {  	s6 =	sld [smem:$0x3FB4]  }
0x2c: {  	s7 =	sld [smem:$0x3FB5]  }
0x2d: {  	s3 =	simm.s32 $0x108;
	s8 =	sld [smem:$0x3FB6]  }
0x2e: {  	s3 =	simm.s32 @!p0 $0x1082;
	s9 =	sld [smem:$0x3FB7]  }
0x2f: {  	lr =	sadd.s32 s0, s3;
	s0 =	sld [smem:$0x3FAE]  }
0x30: {  	s3 =	sld [smem:$0x3FB1]  }
0x31: {  	[smem:$0x3FBA] =	sst s10  }
0x32: {  	s10 =	sld [smem:$0x3FB8];
	_ =	sdelay $0x3  }
0x33: {  	p0 =	seq.s32 s10, $0x1;
	s10 =	sld [smem:$0x3FBA];
	_ =	sdelay $0x3  }
0x34: {  	[smem:$0x3FBA] =	sst s10  }
0x35: {  	s10 =	sld [smem:$0x3FB9];
	_ =	sdelay $0x3  }
0x36: {  	p1 =	seq.s32 s10, $0x1;
	s10 =	sld [smem:$0x3FBA];
	_ =	sdelay $0x3  }
0x37: {  	[smem:$0x3FBA] =	sst s10  }
0x38: {  	s10 =	sld [smem:$0x3FBB]  }
0x39: {  	_ = 	snop;
	(pc) =	sbr.ind lr, $3  }
0x3a: {  	_ = 	snop  }
0x3b: {  	_ = 	snop  }
0x3c: {  	p2 =	seq.s32 s10, $0x1;
	s10 =	sld [smem:$0x3FBA]  }
0x3d: {  	_ =	shalt  }
0x3e: {  	_ =	shalt  }
0x3f: {  	_ =	shalt  }
0x40: {  	_ =	shalt  }
0x41: {  	_ =	shalt  }
0x42: {  	_ =	shalt  }
0x43: {  	_ =	shalt  }
0x44: {  	_ =	shalt  }
0x45: {  	_ =	shalt  }
0x46: {  	_ =	shalt  }
0x47: {  	_ =	shalt  }
0x48: {  	_ =	shalt  }
0x49: {  	_ =	shalt  }
0x4a: {  	_ =	shalt  }
0x4b: {  	_ =	shalt  }
0x4c: {  	_ =	shalt  }
0x4d: {  	_ =	shalt  }
0x4e: {  	_ =	shalt  }
0x4f: {  	_ =	shalt  }
0x50: {  	_ =	shalt  }
0x51: {  	_ =	shalt  }
0x52: {  	_ =	shalt  }
0x53: {  	_ =	shalt  }
0x54: {  	_ =	shalt  }
0x55: {  	_ =	shalt  }
0x56: {  	_ =	shalt  }
0x57: {  	_ =	shalt  }
0x58: {  	_ =	shalt  }
0x59: {  	_ =	shalt  }
0x5a: {  	_ =	shalt  }
0x5b: {  	_ =	shalt  }
0x5c: {  	_ =	shalt  }
0x5d: {  	_ =	shalt  }
0x5e: {  	_ =	shalt  }
0x5f: {  	_ =	shalt  }
0x60: {  	_ =	shalt  }
0x61: {  	_ =	shalt  }
0x62: {  	_ =	shalt  }
0x63: {  	_ =	shalt  }
0x64: {  	_ =	shalt  }
0x65: {  	_ =	shalt  }
0x66: {  	_ =	shalt  }
0x67: {  	_ =	shalt  }
0x68: {  	_ =	shalt  }
0x69: {  	_ =	shalt  }
0x6a: {  	_ =	shalt  }
0x6b: {  	_ =	shalt  }
0x6c: {  	_ =	shalt  }
0x6d: {  	_ =	shalt  }
0x6e: {  	_ =	shalt  }
0x6f: {  	_ =	shalt  }
0x70: {  	_ =	shalt  }
0x71: {  	_ =	shalt  }
0x72: {  	_ =	shalt  }
0x73: {  	_ =	shalt  }
0x74: {  	_ =	shalt  }
0x75: {  	_ =	shalt  }
0x76: {  	_ =	shalt  }
0x77: {  	_ =	shalt  }
0x78: {  	_ =	shalt  }
0x79: {  	_ =	shalt  }
0x7a: {  	_ =	shalt  }
0x7b: {  	_ =	shalt  }
0x7c: {  	_ =	shalt  }
0x7d: {  	_ =	shalt  }
0x7e: {  	_ =	shalt  }
0x7f: {  	_ =	shalt  }
0x80: {  	_ =	shalt  }
0x81: {  	_ =	shalt  }
0x82: {  	_ =	shalt  }
0x83: {  	_ =	shalt  }
0x84: {  	_ =	shalt  }
0x85: {  	_ =	shalt  }
0x86: {  	_ =	shalt  }
0x87: {  	_ =	shalt  }
.Lfunc_end0:
.L_simem_size_0:
called_computation_lowered:
.L_overlay_start_0:
0x88: {  	s2 =	sld [smem:$0x3FD9]  }
0x89: {  	s3 =	sld [smem:$0x3FFE];
	_ =	sdelay $0x1  }
0x8a: {  	s1 =	srdreg.scid  }
0x8b: {  	s0 =	sand.u32 $0x1, s1  }
0x8c: {  	s15 =	sshll.u32 s0, $0xA;
	s2 =	sadd.s32 s3, s2  }
0x8d: {  	s2 =	sadd.s32 s2, s15  }
0x8e: {  	[smem:$0x3FC6] =	sst s2  }
0x8f: {  	_ = 	snop  }
0x90: {  	s2 =	sld [smem:$0x3FD0];
	_ =	sdelay $0x1  }
0x91: {  	s16 =	sld [smem:$0x3FC9]  }
0x92: {  	s5 =	simm.s32 $0xA;
	s6 =	simm.s32 $0x10;
	s4 =	sld [smem:$0x3FC8]  }
0x93: {  	[smem:s6], [sflag:s5] =	dma.local [hbm:s2], $0x1  }
0x94: {  	_ =	swait.eq [sflag:s5], $0x1  }
0x95: {  	[sflag:s5] =	ssyncset.done $0x0  }
0x96: {  	[sflag:s5] =	ssyncadd.s32 $0xFFFFFFFF  }
0x97: {  	s17 =	sld [smem:$0x10];
	(tm) =	ssettm $0x1  }
0x98: {  	s18 =	sld [smem:$0x3FFB];
	_ =	sdelay $0x3  }
0x99: {  	_ =	strace s18  }
0x9a: {  	s5 =	sld [smem:$0x3FFC];
	_ =	sdelay $0x3  }
0x9b: {  	_ =	strace s5  }
0x9c: {  	s5 =	sld [smem:$0x3FFD];
	_ =	sdelay $0x3  }
0x9d: {  	_ =	strace s5  }
0x9e: {  	_ =	strace $0x8FFFFFFF  }
0x9f: {  	s19 =	sld [smem:$0x3FDB];
	_ =	sdelay $0x1  }
0xa0: {  	s20 =	simm.s32 $_scs_section_size  }
0xa1: {  	s7 =	simm.s32 $_size__tile_overlayer_lowered;
	s8 =	simm.s32 $_tile_overlayer_lowered  }
0xa2: {  	s23 =	simm.s32 $0x1BFF;
	s22 =	sshll.u32 s8, $0x1;
	s5 =	sadd.s32 s20, s19  }
0xa3: {  	s9 =	simm.s32 $0x0;
	s21 =	sshll.u32 s7, $0x1;
	s7 =	sadd.s32 s22, s5  }
0xa4: {  	[timem:s9], [sflag:s23] =	dma.local [hbm:s7], s21  }
0xa5: {  	_ =	swait.ge [sflag:s23], s21  }
0xa6: {  	s6 =	ssub.s32 $0x0, s21;
	[sflag:s23] =	ssyncset.done $0x0  }
0xa7: {  	[sflag:s23] =	ssyncadd.s32 s6;
	_ =	sdelay $0x1  }
0xa8: {  	s24 =	simm.s32 $0x1B8B  }
0xa9: {  	_ =	swait.ge [sflag:s24], $0x1  }
0xaa: {  	[sflag:s24] =	ssyncset.done $0x0  }
0xab: {  	s25 =	simm.s32 $0x1B8E;
	[sflag:s24] =	ssyncadd.s32 $0xFFFFFFFF  }
0xac: {  	s26 =	simm.s32 $execute0_lowered;
	[smem:$0x3FD2] =	sst s25  }
0xad: {  	s6 =	sshll.u32 s26, $0x1;
	_ =	strace $0x80000046;
	[dreg:$0x1] =	wrdreg $0xFFFFFFFF  }
0xae: {  	s28 =	simm.s32 $_size_execute0_lowered;
	s5 =	sadd.s32 s5, s6;
	[dreg:$0x0] =	wrdreg $0x0  }
0xaf: {  	s6 =	sshll.u32 s28, $0x1;
	[dreg:$0x2] =	wrdreg s5  }
0xb0: {  	[dreg:$0x3] =	wrdreg s6  }
0xb1: {  	[dreg:$0x4] =	wrdreg $0xC0  }
0xb2: {  	_ =	task [dreg:s9], $0x5FFFF  }
0xb3: {  	[dreg:$0x1] =	wrdreg $0xFFFFFFFF  }
0xb4: {  	[dreg:$0x0] =	wrdreg $0x60  }
0xb5: {  	[dreg:$0x2] =	wrdreg s16  }
0xb6: {  	[dreg:$0x3] =	wrdreg s4  }
0xb7: {  	[dreg:$0x4] =	wrdreg s17  }
0xb8: {  	[dreg:$0x5] =	wrdreg $0x9  }
0xb9: {  	_ =	task.clear_ibuf [dreg:s9], $0x6FFFF;
	_ =	strace $0x90000046  }
0xba: {  	s29 =	simm.s32 $0x9;
	_ =	strace $0x80000048  }
0xbb: {  	_ =	swait.ge [sflag:s29], $0x1  }
0xbc: {  	[sflag:s29] =	ssyncadd.s32 $0xFFFFFFFF  }
0xbd: {  	_ =	strace $0x90000048  }
0xbe: {  	_ =	sfence  }
0xbf: {  	s30 =	sld [smem:$0x0];
	_ =	sdelay $0x2  }
0xc0: {  	s31 =	sshll.u32 s1, $0xD;
	s1 =	sshrl.u32 s1, $0x2  }
0xc1: {  	s3 =	sand.u32 $0x4000, s31;
	s1 =	sadd.s32 s1, s30  }
0xc2: {  	s0 =	sor.u32 s3, s0;
	s1 =	sshll.u32 s1, $0x11  }
0xc3: {  	s0 =	sor.u32 s1, s0  }
0xc4: {  	s0 =	sadd.s32 $0x8F2B, s0  }
0xc5: {  	[sflag:s0] =	ssyncadd.remote.s32 $0x1  }
0xc6: {  	_ =	sfence.sel $0xFFFF  }
0xc7: {  	[dreg:$0x0] =	wrdreg $0xFFFFFFFF;
	(pc) =	sbr.abs _section_cstart, $3  }
0xc8: {  	[dreg:$0x1] =	wrdreg $0xFFFFFFFF  }
0xc9: {  	_ =	task.clear_ibuf [dreg:s9], $0x2FFFF;
	_ =	strace $0x9FFFFFFF  }
0xca: {  	(tm) =	ssettm $0x7FFFFFFF  }
0xcb: {  	_ =	shalt  }
tec
execute0_lowered:
.L_overlay_start_1:
0x0: {  	(tag) =	ssettag $0x1  }
0x1: {  	s0 =	srdreg.scid;
	s3 =	rddreg [dreg:$0x0]  }
0x2: {  	s1 =	stileid.u32;
	s4 =	rddreg [dreg:$0x2]  }
0x3: {  	s6 =	simm.s32 $0x0;
	s0 =	sand.u32 $0x1, s0;
	s1 =	sshll.u32 s1, $0x9  }
0x4: {  	[smem:$0x7FF] =	sst s6;
	s31 =	sadd.s32 $0xC00, s4;
	s2 =	sshll.u32 s0, $0x8  }
0x5: {  	s0 =	ssub.s32 $0x2, s0;
	_ =	strace $0x80000047;
	s5 =	sor.u32 s2, s1  }
0x6: {  	[dreg:$0xa] =	wrdreg s31;
	s28 =	sshrl.u32 s0, $0x1;
	s1 =	sshrl.u32 s5, $0x3  }
0x7: {  	s0 =	ssub.s32 s0, s28;
	s29 =	sor.u32 $0x10, s5;
	[dreg:$0x4] =	wrdreg s5  }
0x8: {  	s30 =	sor.u32 $0x18, s5;
	s1 =	smul.u32 $0xC00, s1;
	[dreg:$0x7] =	wrdreg s29  }
0x9: {  	s13 =	simm.s32 $0xC00;
	[dreg:$0x8] =	wrdreg s30;
	s0 =	smax.u32 s0, $0x1  }
0xa: {  	s14 =	simm.s32 $0x6C00;
	[dreg:$0x9] =	wrdreg s0;
	s1 =	sadd.s32 s3, s1  }
0xb: {  	s16 =	simm.s32 $0x1;
	[dreg:$0x5] =	wrdreg s1;
	s1 =	sadd.s32 $0xC00, s1  }
0xc: {  	s18 =	simm.s32 $0x2;
	s2 =	simm.s32 $0x0;
	[dreg:$0x6] =	wrdreg s1  }
.LBB2_1:
0xd: {  	[dreg:$0xb] =	wrdreg s2  }
0xe: {  	s0 =	rddreg [dreg:$0x5]  }
0xf: {  	[tilespmem:s13], [sflag:$0x1] =	stream.linear.gather [hbm4b:s0+s6], $0x6000, $0x38;
	[tilespmem:$0x18C00] =	vst v63  }
0x10: {  	s29 =	rddreg [dreg:$0x6]  }
0x11: {  	[tilespmem:s14], [sflag:$0x2] =	stream.linear.gather [hbm4b:s29+s6], $0x6000, $0x38;
	[tilespmem:$0x18C00] =	vst v63  }
0x12: {  	s30 =	rddreg [dreg:$0x1];
	s31 =	simm.s32 $0x5  }
0x13: {  	[tilespmem:s6], [sflag:$0x5] =	stream.linear.gather [hbm4b:s30+s6], $0xC00, $0x38;
	[tilespmem:$0x18C00] =	vst v63  }
0x14: {  	_ =	swait.ge [sflag:s31], $0xC00  }
0x15: {  	[sflag:s31] =	ssyncset.done $0x0  }
0x16: {  	s23 =	simm.s32 $0x0;
	[sflag:s31] =	ssyncadd.s32 $0xFFFFF400  }
.LBB2_2:
0x17: {  	_ =	swait.ge [sflag:s16], $0x6000  }
0x18: {  	p1 =	seq.s32 s23, $0x0;
	[sflag:s16] =	ssyncset.done $0x0  }
0x19: {  	s1 =	simm.s32 $0x0;
	s0 =	simm.s32 @!p1 $0x3;
	[sflag:s16] =	ssyncadd.s32 $0xFFFFA000  }
0x1a: {  	s2 =	sand.u32 $0x40, s1;
	_ =	swait.ge @!p1 [sflag:s0], $0x6000  }
0x1b: {  	s3 =	sand.u32 $0xF80, s1;
	s4 =	sor.u32 $0x30, s2;
	[sflag:s0] =	ssyncset.done @!p1 $0x0  }
0x1c: {  	s22 =	sor.u32 s4, s3;
	[sflag:s0] =	ssyncadd.s32 @!p1 $0xFFFFA000  }
0x1d: {  	v0 =	vld [tilespmem:s22+$0x0]  }
0x1e: {  	s5 =	sor.u32 $0x10, s2;
	v1 =	vld [tilespmem:s1+$0x0]  }
0x1f: {  	s7 =	sor.u32 $0x20, s2;
	s24 =	sor.u32 s5, s3  }
0x20: {  	s3 =	sor.u32 s7, s3;
	v2 =	vld [tilespmem:s24+$0x0]  }
0x21: {  	v3 =	vld [tilespmem:s3+$0x0]  }
0x22: {  	v4 =	vshll.u32 v0, $0x3  }
0x23: {  	v5 =	vshll.u32 v1, $0x3;
	v0 =	vand.u32 $0x7F, v0;
	v4 =	vand.u32 $0xFFFFFC00, v4  }
0x24: {  	v1 =	vand.u32 $0x7F, v1;
	v6 =	vand.u32 $0xFFFFFC00, v5;
	v5 =	vor.u32 v0, v4  }
0x25: {  	v0 =	vor.u32 v1, v6;
	v1 =	vshll.u32 v2, $0x3  }
0x26: {  	v4 =	vshll.u32 v3, $0x3;
	v2 =	vand.u32 $0x7F, v2;
	v1 =	vand.u32 $0xFFFFFC00, v1  }
0x27: {  	v6 =	vand.u32 $0xFFFFFC00, v4;
	v4 =	vor.u32 v2, v1;
	v1 =	vand.u32 $0x7F, v3  }
0x28: {  	v3 =	vor.u32 v1, v6  }
0x29: {  	v1 =	vld.idx.msk [tilespmem:v5+s13+$0x0], $0xffff  }
0x2a: {  	v6 =	vor.u32 $0x80, v5;
	v2 =	vld.idx.msk [tilespmem:v0+s13+$0x0], $0xffff  }
0x2b: {  	s25 =	sand.u32 $0x7C00, s1;
	v7 =	vor.u32 $0x80, v0  }
0x2c: {  	s1 =	sadd.s32 $0xCC00, s25;
	v8 =	vld.idx.msk [tilespmem:v4+s13+$0x0], $0xffff  }
0x2d: {  	s4 =	sor.u32 s4, s1;
	v9 =	vor.u32 $0x80, v4;
	v10 =	vld.idx.msk [tilespmem:v3+s13+$0x0], $0xffff  }
0x2e: {  	s0 =	sor.u32 s2, s1;
	v11 =	vor.u32 $0x80, v3;
	[tilespmem:s4+$0x0] =	vst v1  }
0x2f: {  	[tilespmem:s0+$0x0] =	vst v2;
	v1 =	vld.idx.msk [tilespmem:v6+s13+$0x0], $0xffff  }
0x30: {  	s8 =	sor.u32 s5, s1;
	v2 =	vld.idx.msk [tilespmem:v7+s13+$0x0], $0xffff;
	v6 =	vor.u32 $0x100, v5  }
0x31: {  	s26 =	sor.u32 s7, s1;
	v7 =	vor.u32 $0x100, v0;
	[tilespmem:s8+$0x0] =	vst v8  }
0x32: {  	v8 =	vld.idx.msk [tilespmem:v9+s13+$0x0], $0xffff;
	[tilespmem:s26+$0x0] =	vst v10  }
0x33: {  	v9 =	vor.u32 $0x100, v4;
	v10 =	vld.idx.msk [tilespmem:v11+s13+$0x0], $0xffff  }
0x34: {  	v11 =	vor.u32 $0x100, v3;
	[tilespmem:s4+$0x80] =	vst v1  }
0x35: {  	[tilespmem:s0+$0x80] =	vst v2;
	v1 =	vld.idx.msk [tilespmem:v6+s13+$0x0], $0xffff  }
0x36: {  	v2 =	vld.idx.msk [tilespmem:v7+s13+$0x0], $0xffff;
	v6 =	vor.u32 $0x180, v5  }
0x37: {  	v7 =	vor.u32 $0x180, v0;
	[tilespmem:s8+$0x80] =	vst v8  }
0x38: {  	v8 =	vld.idx.msk [tilespmem:v9+s13+$0x0], $0xffff;
	[tilespmem:s26+$0x80] =	vst v10  }
0x39: {  	s25 =	simm.s32 $0x40;
	v9 =	vor.u32 $0x180, v4;
	v10 =	vld.idx.msk [tilespmem:v11+s13+$0x0], $0xffff  }
0x3a: {  	s1 =	sand.u32 $0x40, s25;
	v11 =	vld [tilespmem:s25+$0x0];
	[tilespmem:s4+$0x100] =	vst v1  }
0x3b: {  	s9 =	sand.u32 $0xF80, s25;
	s2 =	sor.u32 $0x30, s1;
	[tilespmem:s0+$0x100] =	vst v2;
	v1 =	vld.idx.msk [tilespmem:v6+s13+$0x0], $0xffff  }
0x3c: {  	s11 =	sor.u32 s2, s9;
	v2 =	vor.u32 $0x180, v3;
	v6 =	vld.idx.msk [tilespmem:v7+s13+$0x0], $0xffff  }
0x3d: {  	s12 =	sor.u32 $0x10, s1;
	v7 =	vor.u32 $0x200, v5;
	[tilespmem:s8+$0x100] =	vst v8;
	v8 =	vld [tilespmem:s11+$0x0]  }
0x3e: {  	s15 =	sor.u32 $0x20, s1;
	s10 =	sor.u32 s12, s9;
	v9 =	vld.idx.msk [tilespmem:v9+s13+$0x0], $0xffff  }
0x3f: {  	s9 =	sor.u32 s15, s9;
	v13 =	vld [tilespmem:s10+$0x0];
	v12 =	vor.u32 $0x200, v4;
	v14 =	vshll.u32 v11, $0x3  }
0x40: {  	v15 =	vld [tilespmem:s9+$0x0];
	[tilespmem:s26+$0x100] =	vst v10;
	v10 =	vor.u32 $0x200, v0;
	v11 =	vand.u32 $0x7F, v11;
	v14 =	vand.u32 $0xFFFFFC00, v14  }
0x41: {  	p0 =	por $0x0, $0x0;
	v16 =	vld.idx.msk [tilespmem:v2+s13+$0x0], $0xffff;
	[tilespmem:s4+$0x180] =	vst v1;
	v1 =	vor.u32 v11, v14;
	s4 =	simm.s32 $0x1  }
0x42: {  	v11 =	vor.u32 $0x200, v3;
	v7 =	vld.idx.msk [tilespmem:v7+s13+$0x0], $0xffff;
	v2 =	vshll.u32 v8, $0x3;
	s4 =	simm.s32 @!p0 $0x0  }
0x43: {  	v8 =	vand.u32 $0x7F, v8;
	[tilespmem:s8+$0x180] =	vst v9;
	v2 =	vand.u32 $0xFFFFFC00, v2;
	s4 =	sshll.u32 s4, $0x6;
	v9 =	vor.u32 $0x280, v5  }
0x44: {  	v14 =	vor.u32 $0x280, v4;
	[tilespmem:s0+$0x180] =	vst v6;
	v6 =	vld.idx.msk [tilespmem:v12+s13+$0x0], $0xffff;
	v12 =	vshll.u32 v13, $0x3;
	v2 =	vor.u32 v8, v2;
	s0 =	sadd.s32 $0x0, s4  }
0x45: {  	v8 =	vld.idx.msk [tilespmem:v10+s13+$0x0], $0xffff;
	v10 =	vshll.u32 v15, $0x3;
	v13 =	vand.u32 $0x7F, v13;
	v12 =	vand.u32 $0xFFFFFC00, v12;
	s4 =	sadd.s32 $0x30, s0  }
0x46: {  	v10 =	vand.u32 $0xFFFFFC00, v10;
	[tilespmem:s26+$0x180] =	vst v16;
	v17 =	vld.idx.msk [tilespmem:v1+s13+$0x0], $0xffff;
	v21 =	vor.u32 v13, v12;
	v12 =	vand.u32 $0x7F, v15;
	s19 =	sor.u32 $0x200, s4  }
0x47: {  	s3 =	sadd.s32 $0x10, s0;
	v11 =	vld.idx.msk [tilespmem:v11+s13+$0x0], $0xffff;
	v10 =	vor.u32 v12, v10;
	[tilespmem:s19+$0xCC00] =	vst v7  }
0x48: {  	s20 =	sor.u32 $0x200, s3;
	v7 =	vor.u32 $0x280, v0;
	v9 =	vld.idx.msk [tilespmem:v9+s13+$0x0], $0xffff  }
0x49: {  	s28 =	simm.s32 $0x200;
	s21 =	sor.u32 $0x200, s0;
	v12 =	vor.u32 $0x280, v3;
	v13 =	vld.idx.msk [tilespmem:v2+s13+$0x0], $0xffff;
	[tilespmem:s20+$0xCC00] =	vst v6  }
0x4a: {  	s24 =	sand.u32 $0x7C00, s28;
	s17 =	sadd.s32 $0x20, s0;
	[tilespmem:s21+$0xCC00] =	vst v8;
	v8 =	vor.u32 $0x80, v1;
	v6 =	vld.idx.msk [tilespmem:v14+s13+$0x0], $0xffff  }
0x4b: {  	s8 =	sadd.s32 $0xCC00, s24;
	s22 =	sor.u32 $0x200, s17;
	v14 =	vor.u32 $0x300, v5;
	v15 =	vld.idx.msk [tilespmem:v21+s13+$0x0], $0xffff  }
0x4c: {  	s11 =	sor.u32 s1, s8;
	v16 =	vor.u32 $0x80, v2;
	[tilespmem:s22+$0xCC00] =	vst v11;
	v18 =	vld.idx.msk [tilespmem:v10+s13+$0x0], $0xffff  }
0x4d: {  	s26 =	sor.u32 $0x280, s4;
	v19 =	vor.u32 $0x80, v21;
	[tilespmem:s11+$0x0] =	vst v17;
	v22 =	vld.idx.msk [tilespmem:v7+s13+$0x0], $0xffff  }
0x4e: {  	s20 =	sor.u32 s2, s8;
	v7 =	vor.u32 $0x80, v10;
	v11 =	vld.idx.msk [tilespmem:v12+s13+$0x0], $0xffff;
	[tilespmem:s26+$0xCC00] =	vst v9  }
0x4f: {  	s10 =	sor.u32 $0x280, s3;
	v9 =	vor.u32 $0x300, v4;
	[tilespmem:s20+$0x0] =	vst v13;
	v8 =	vld.idx.msk [tilespmem:v8+s13+$0x0], $0xffff  }
0x50: {  	s7 =	sor.u32 s12, s8;
	v13 =	vor.u32 $0x300, v3;
	v12 =	vld.idx.msk [tilespmem:v14+s13+$0x0], $0xffff;
	[tilespmem:s10+$0xCC00] =	vst v6  }
0x51: {  	s2 =	sor.u32 s15, s8;
	v5 =	vor.u32 $0x380, v5;
	v16 =	vld.idx.msk [tilespmem:v16+s13+$0x0], $0xffff;
	[tilespmem:s7+$0x0] =	vst v15  }
0x52: {  	s12 =	sor.u32 $0x280, s17;
	v17 =	vor.u32 $0x100, v2;
	v15 =	vld.idx.msk [tilespmem:v19+s13+$0x0], $0xffff;
	[tilespmem:s2+$0x0] =	vst v18  }
0x53: {  	v19 =	vor.u32 $0x100, v1;
	[tilespmem:s12+$0xCC00] =	vst v11;
	v7 =	vld.idx.msk [tilespmem:v7+s13+$0x0], $0xffff  }
0x54: {  	s15 =	sor.u32 $0x300, s4;
	v6 =	vor.u32 $0x100, v21;
	v23 =	vld.idx.msk [tilespmem:v9+s13+$0x0], $0xffff;
	[tilespmem:s11+$0x80] =	vst v8  }
0x55: {  	v20 =	vor.u32 $0x100, v10;
	v14 =	vld.idx.msk [tilespmem:v13+s13+$0x0], $0xffff;
	[tilespmem:s15+$0xCC00] =	vst v12  }
0x56: {  	[tilespmem:s20+$0x80] =	vst v16;
	v16 =	vor.u32 $0x300, v0;
	v24 =	vld.idx.msk [tilespmem:v5+s13+$0x0], $0xffff  }
0x57: {  	v25 =	vor.u32 $0x380, v4;
	v18 =	vld.idx.msk [tilespmem:v17+s13+$0x0], $0xffff;
	[tilespmem:s7+$0x80] =	vst v15  }
0x58: {  	s19 =	sor.u32 $0x280, s0;
	v4 =	vor.u32 $0x380, v21;
	v17 =	vld.idx.msk [tilespmem:v19+s13+$0x0], $0xffff;
	s1 =	rddreg [dreg:$0x4];
	[tilespmem:s2+$0x80] =	vst v7  }
0x59: {  	s31 =	simm.s32 $0x4;
	s24 =	sshll.u32 s23, $0x4;
	v11 =	vor.u32 $0x200, v21;
	v13 =	vor.u32 $0x180, v21;
	v19 =	vld.idx.msk [tilespmem:v6+s13+$0x0], $0xffff;
	[tilespmem:s19+$0xCC00] =	vst v22;
	v22 =	vor.u32 $0x180, v2  }
0x5a: {  	s29 =	sor.u32 $0x380, s0;
	s30 =	sor.u32 $0x380, s17;
	s21 =	sor.u32 $0x300, s3;
	v8 =	vor.u32 $0x280, v21;
	v6 =	vor.u32 $0x300, v21;
	v21 =	vor.u32 $0x180, v1;
	v20 =	vld.idx.msk [tilespmem:v20+s13+$0x0], $0xffff  }
0x5b: {  	s8 =	sor.u32 $0x300, s0;
	s3 =	sor.u32 $0x380, s3;
	s22 =	sor.u32 $0x380, s4;
	v3 =	vor.u32 $0x380, v3;
	v9 =	vor.u32 $0x200, v10;
	v12 =	vor.u32 $0x180, v10;
	[tilespmem:s21+$0xCC00] =	vst v23;
	v15 =	vld.idx.msk [tilespmem:v16+s13+$0x0], $0xffff  }
0x5c: {  	s0 =	simm.s32 $0x80;
	s15 =	sor.u32 $0x300, s17;
	v5 =	vor.u32 $0x300, v10;
	v7 =	vor.u32 $0x280, v10;
	v10 =	vor.u32 $0x380, v10;
	s26 =	sor.u32 s1, s24;
	v16 =	vld.idx.msk [tilespmem:v25+s13+$0x0], $0xffff;
	[tilespmem:s22+$0xCC00] =	vst v24  }
.LBB2_3:
0x5d: {  	v23 =	vld [tilespmem:s0+$0x0];
	[tilespmem:s20+$0x100] =	vst v18;
	s25 =	sadd.s32 $0x40, s25  }
0x5e: {  	s31 =	sadd.s32 $0x4, s31;
	s21 =	sand.u32 $0x40, s25;
	[tilespmem:s11+$0x100] =	vst v17;
	v17 =	vld.idx.msk [tilespmem:v22+s13+$0x0], $0xffff  }
0x5f: {  	s1 =	sand.u32 $0xF80, s25;
	p2 =	slt.u32 s31, $0xBC;
	s22 =	sor.u32 $0x30, s21;
	v18 =	vld.idx.msk [tilespmem:v21+s13+$0x0], $0xffff;
	[tilespmem:s7+$0x100] =	vst v19  }
0x60: {  	s17 =	sor.u32 $0x10, s21;
	s4 =	sor.u32 $0x20, s21;
	v19 =	vor.u32 $0x200, v2;
	s5 =	sor.u32 s22, s1;
	v13 =	vld.idx.msk [tilespmem:v13+s13+$0x0], $0xffff;
	[tilespmem:s2+$0x100] =	vst v20  }
0x61: {  	v21 =	vor.u32 $0x200, v1;
	s9 =	sor.u32 s17, s1;
	s1 =	sor.u32 s4, s1;
	v20 =	vld [tilespmem:s5+$0x0];
	[tilespmem:s15+$0xCC00] =	vst v14  }
0x62: {  	v14 =	vld [tilespmem:s9+$0x0];
	[tilespmem:s8+$0xCC00] =	vst v15  }
0x63: {  	v15 =	vshll.u32 v23, $0x3;
	v22 =	vld [tilespmem:s1+$0x0];
	[tilespmem:s3+$0xCC00] =	vst v16  }
0x64: {  	v16 =	vand.u32 $0x7F, v23;
	v15 =	vand.u32 $0xFFFFFC00, v15;
	v12 =	vld.idx.msk [tilespmem:v12+s13+$0x0], $0xffff;
	[tilespmem:s20+$0x180] =	vst v17;
	v17 =	vor.u32 $0x380, v0;
	v0 =	vmovc v1  }
0x65: {  	p0 =	por !p0, !p0;
	s1 =	simm.s32 $0x1;
	v1 =	vor.u32 v16, v15;
	[tilespmem:s11+$0x180] =	vst v18;
	v15 =	vld.idx.msk [tilespmem:v19+s13+$0x0], $0xffff  }
0x66: {  	s1 =	simm.s32 @!p0 $0x0;
	v16 =	vshll.u32 v20, $0x3;
	v18 =	vld.idx.msk [tilespmem:v21+s13+$0x0], $0xffff;
	[tilespmem:s7+$0x180] =	vst v13  }
0x67: {  	s1 =	sshll.u32 s1, $0x6;
	v13 =	vand.u32 $0x7F, v20;
	v16 =	vand.u32 $0xFFFFFC00, v16;
	v19 =	vld.idx.msk [tilespmem:v11+s13+$0x0], $0xffff;
	v11 =	vor.u32 $0x280, v2  }
0x68: {  	s7 =	sadd.s32 s1, s28;
	v20 =	vshll.u32 v14, $0x3;
	v21 =	vshll.u32 v22, $0x3;
	v16 =	vor.u32 v13, v16;
	v23 =	vld.idx.msk [tilespmem:v3+s13+$0x0], $0xffff;
	v3 =	vmovc v10  }
0x69: {  	s3 =	sadd.s32 $0x10, s7;
	s11 =	sadd.s32 $0x20, s7;
	s19 =	sadd.s32 $0x30, s7;
	v10 =	vand.u32 $0x7F, v14;
	v13 =	vand.u32 $0xFFFFFC00, v20;
	v14 =	vand.u32 $0xFFFFFC00, v21;
	v17 =	vld.idx.msk [tilespmem:v17+s13+$0x0], $0xffff  }
0x6a: {  	s20 =	sor.u32 $0x200, s3;
	s1 =	sor.u32 $0x200, s19;
	v10 =	vor.u32 v10, v13;
	v13 =	vand.u32 $0x7F, v22;
	v21 =	vor.u32 $0x280, v0;
	v20 =	vld.idx.msk [tilespmem:v1+s13+$0x0], $0xffff;
	[tilespmem:s2+$0x180] =	vst v12;
	s2 =	sor.u32 $0x200, s11  }
0x6b: {  	s5 =	sor.u32 $0x200, s7;
	s10 =	sor.u32 $0x280, s3;
	s9 =	sor.u32 $0x280, s11;
	v22 =	vor.u32 $0x80, v10;
	v24 =	vor.u32 $0x100, v10;
	v14 =	vor.u32 v13, v14;
	v25 =	vld.idx.msk [tilespmem:v9+s13+$0x0], $0xffff;
	[tilespmem:s1+$0xCC00] =	vst v15  }
0x6c: {  	s15 =	sor.u32 $0x300, s11;
	v13 =	vor.u32 $0x180, v10;
	v15 =	vor.u32 $0x80, v14;
	v26 =	vor.u32 $0x100, v14;
	s1 =	sor.u32 $0x300, s3;
	[tilespmem:s5+$0xCC00] =	vst v18;
	s5 =	sor.u32 $0x280, s7;
	v18 =	vld.idx.msk [tilespmem:v11+s13+$0x0], $0xffff  }
0x6d: {  	s8 =	sor.u32 $0x300, s7;
	s11 =	sor.u32 $0x380, s11;
	v12 =	vor.u32 $0x180, v14;
	v9 =	vor.u32 $0x200, v14;
	s3 =	sor.u32 $0x380, s3;
	v11 =	vor.u32 $0x200, v10;
	v27 =	vld.idx.msk [tilespmem:v16+s13+$0x0], $0xffff;
	[tilespmem:s20+$0xCC00] =	vst v19  }
0x6e: {  	v29 =	vor.u32 $0x300, v2;
	s7 =	sor.u32 $0x380, s7;
	v19 =	vor.u32 $0x280, v14;
	v28 =	vld.idx.msk [tilespmem:v8+s13+$0x0], $0xffff;
	v8 =	vor.u32 $0x280, v10;
	[tilespmem:s30+$0xCC00] =	vst v23;
	s30 =	smov.u32 s11  }
0x6f: {  	s28 =	sadd.s32 $0x200, s28;
	v32 =	vor.u32 $0x80, v16;
	v30 =	vor.u32 $0x300, v10;
	v31 =	vor.u32 $0x300, v14;
	v23 =	vld.idx.msk [tilespmem:v10+s13+$0x0], $0xffff;
	[tilespmem:s29+$0xCC00] =	vst v17;
	s29 =	smov.u32 s7  }
0x70: {  	v33 =	vor.u32 $0x380, v10;
	s7 =	sand.u32 $0x7C00, s28;
	v17 =	vor.u32 $0x80, v1;
	v10 =	vor.u32 $0x380, v14;
	v34 =	vld.idx.msk [tilespmem:v14+s13+$0x0], $0xffff  }
0x71: {  	s12 =	sadd.s32 $0xCC00, s7;
	v35 =	vld.idx.msk [tilespmem:v21+s13+$0x0], $0xffff;
	[tilespmem:s2+$0xCC00] =	vst v25;
	s2 =	sor.u32 $0x280, s19  }
0x72: {  	s11 =	sor.u32 s21, s12;
	s7 =	sor.u32 s17, s12;
	s20 =	sor.u32 s22, s12;
	v14 =	vld.idx.msk [tilespmem:v7+s13+$0x0], $0xffff;
	[tilespmem:s2+$0xCC00] =	vst v18;
	v7 =	vmov v19  }
0x73: {  	s2 =	sor.u32 s4, s12;
	[tilespmem:s20+$0x0] =	vst v27;
	v18 =	vld.idx.msk [tilespmem:v29+s13+$0x0], $0xffff  }
0x74: {  	[tilespmem:s11+$0x0] =	vst v20;
	v19 =	vld.idx.msk [tilespmem:v32+s13+$0x0], $0xffff  }
0x75: {  	v20 =	vor.u32 $0x380, v2;
	v2 =	vmov v16;
	v17 =	vld.idx.msk [tilespmem:v17+s13+$0x0], $0xffff;
	[tilespmem:s7+$0x0] =	vst v23  }
0x76: {  	v21 =	vor.u32 $0x100, v2;
	v16 =	vld.idx.msk [tilespmem:v22+s13+$0x0], $0xffff;
	[tilespmem:s2+$0x0] =	vst v34  }
0x77: {  	v22 =	vor.u32 $0x100, v1;
	v15 =	vld.idx.msk [tilespmem:v15+s13+$0x0], $0xffff;
	[tilespmem:s10+$0xCC00] =	vst v28  }
0x78: {  	s4 =	sor.u32 $0x300, s19;
	v23 =	vld.idx.msk [tilespmem:v6+s13+$0x0], $0xffff;
	[tilespmem:s9+$0xCC00] =	vst v14;
	v6 =	vmov v30  }
0x79: {  	v14 =	vld.idx.msk [tilespmem:v5+s13+$0x0], $0xffff;
	[tilespmem:s4+$0xCC00] =	vst v18;
	v5 =	vmov v31  }
0x7a: {  	v25 =	vor.u32 $0x300, v0;
	[tilespmem:s20+$0x80] =	vst v19;
	v27 =	vld.idx.msk [tilespmem:v20+s13+$0x0], $0xffff  }
0x7b: {  	[tilespmem:s11+$0x80] =	vst v17;
	v18 =	vld.idx.msk [tilespmem:v21+s13+$0x0], $0xffff  }
.Ltmp0:
0x7c: {  	v17 =	vld.idx.msk [tilespmem:v22+s13+$0x0], $0xffff;
	[tilespmem:s7+$0x80] =	vst v16;
	(pc) =	sbr.rel @p2 .LBB2_3-.Ltmp0, $4  }
0x7d: {  	v22 =	vor.u32 $0x180, v2;
	v19 =	vld.idx.msk [tilespmem:v24+s13+$0x0], $0xffff;
	[tilespmem:s2+$0x80] =	vst v15  }
0x7e: {  	v21 =	vor.u32 $0x180, v1;
	v20 =	vld.idx.msk [tilespmem:v26+s13+$0x0], $0xffff;
	[tilespmem:s5+$0xCC00] =	vst v35  }
0x7f: {  	v15 =	vld.idx.msk [tilespmem:v25+s13+$0x0], $0xffff;
	[tilespmem:s1+$0xCC00] =	vst v23;
	s1 =	sor.u32 $0x380, s19  }
0x80: {  	s0 =	sadd.s32 $0x40, s0;
	v16 =	vld.idx.msk [tilespmem:v4+s13+$0x0], $0xffff;
	[tilespmem:s1+$0xCC00] =	vst v27;
	v4 =	vmov v33  }
0x81: {  	_ =	sdelay $0x2  }
0x82: {  	[tilespmem:s20+$0x100] =	vst v18  }
0x83: {  	v18 =	vld.idx.msk [tilespmem:v22+s13+$0x0], $0xffff;
	[tilespmem:s7+$0x100] =	vst v19  }
0x84: {  	[tilespmem:s11+$0x100] =	vst v17;
	v19 =	vor.u32 $0x200, v2;
	v13 =	vld.idx.msk [tilespmem:v13+s13+$0x0], $0xffff  }
0x85: {  	v17 =	vld.idx.msk [tilespmem:v21+s13+$0x0], $0xffff;
	[tilespmem:s2+$0x100] =	vst v20  }
0x86: {  	v20 =	vor.u32 $0x200, v1;
	v12 =	vld.idx.msk [tilespmem:v12+s13+$0x0], $0xffff;
	_ =	sdelay $0x1  }
0x87: {  	p0 =	por !p0, !p0;
	s0 =	simm.s32 $0x1;
	[tilespmem:s20+$0x180] =	vst v18  }
0x88: {  	s0 =	simm.s32 @!p0 $0x0;
	v18 =	vld.idx.msk [tilespmem:v19+s13+$0x0], $0xffff;
	[tilespmem:s7+$0x180] =	vst v13  }
0x89: {  	s0 =	sshll.u32 s0, $0x6;
	[tilespmem:s11+$0x180] =	vst v17;
	v13 =	vor.u32 $0x280, v2;
	v11 =	vld.idx.msk [tilespmem:v11+s13+$0x0], $0xffff  }
0x8a: {  	s0 =	sadd.s32 s0, s28;
	[tilespmem:s2+$0x180] =	vst v12;
	v12 =	vld.idx.msk [tilespmem:v20+s13+$0x0], $0xffff  }
0x8b: {  	s1 =	sadd.s32 $0x30, s0;
	v17 =	vor.u32 $0x280, v1;
	v9 =	vld.idx.msk [tilespmem:v9+s13+$0x0], $0xffff  }
0x8c: {  	s9 =	sadd.s32 $0x10, s0;
	s4 =	sor.u32 $0x200, s1  }
0x8d: {  	s10 =	sor.u32 $0x200, s9;
	[tilespmem:s4+$0xCC00] =	vst v18  }
0x8e: {  	s5 =	sadd.s32 $0x20, s0;
	s12 =	sor.u32 $0x200, s0;
	v13 =	vld.idx.msk [tilespmem:v13+s13+$0x0], $0xffff;
	[tilespmem:s10+$0xCC00] =	vst v11  }
0x8f: {  	s11 =	sor.u32 $0x200, s5;
	v11 =	vor.u32 $0x300, v2;
	[tilespmem:s12+$0xCC00] =	vst v12;
	v8 =	vld.idx.msk [tilespmem:v8+s13+$0x0], $0xffff  }
0x90: {  	[tilespmem:s11+$0xCC00] =	vst v9;
	v9 =	vld.idx.msk [tilespmem:v17+s13+$0x0], $0xffff  }
0x91: {  	[tilespmem:s15+$0xCC00] =	vst v14;
	v12 =	vor.u32 $0x300, v1;
	v7 =	vld.idx.msk [tilespmem:v7+s13+$0x0], $0xffff  }
0x92: {  	[tilespmem:s8+$0xCC00] =	vst v15;
	s15 =	sor.u32 $0x280, s1  }
0x93: {  	v3 =	vld.idx.msk [tilespmem:v3+s13+$0x0], $0xffff;
	s17 =	sor.u32 $0x280, s9;
	[tilespmem:s15+$0xCC00] =	vst v13  }
0x94: {  	v0 =	vor.u32 $0x380, v0;
	s20 =	sor.u32 $0x280, s0;
	v11 =	vld.idx.msk [tilespmem:v11+s13+$0x0], $0xffff;
	[tilespmem:s17+$0xCC00] =	vst v8  }
0x95: {  	s19 =	sor.u32 $0x280, s5;
	v2 =	vor.u32 $0x380, v2;
	[tilespmem:s20+$0xCC00] =	vst v9;
	v6 =	vld.idx.msk [tilespmem:v6+s13+$0x0], $0xffff  }
0x96: {  	[tilespmem:s19+$0xCC00] =	vst v7;
	v7 =	vld.idx.msk [tilespmem:v12+s13+$0x0], $0xffff  }
0x97: {  	[tilespmem:s3+$0xCC00] =	vst v16;
	v1 =	vor.u32 $0x380, v1;
	v5 =	vld.idx.msk [tilespmem:v5+s13+$0x0], $0xffff  }
0x98: {  	s21 =	sor.u32 $0x300, s1;
	[tilespmem:s30+$0xCC00] =	vst v3  }
0x99: {  	v0 =	vld.idx.msk [tilespmem:v0+s13+$0x0], $0xffff;
	s22 =	sor.u32 $0x300, s9;
	[tilespmem:s21+$0xCC00] =	vst v11  }
0x9a: {  	s7 =	sor.u32 $0x300, s0;
	v2 =	vld.idx.msk [tilespmem:v2+s13+$0x0], $0xffff;
	[tilespmem:s22+$0xCC00] =	vst v6  }
0x9b: {  	s25 =	sor.u32 $0x300, s5;
	[tilespmem:s7+$0xCC00] =	vst v7;
	v4 =	vld.idx.msk [tilespmem:v4+s13+$0x0], $0xffff  }
0x9c: {  	[tilespmem:s25+$0xCC00] =	vst v5;
	v1 =	vld.idx.msk [tilespmem:v1+s13+$0x0], $0xffff  }
0x9d: {  	p0 =	seq.s32 s23, $0xF;
	v5 =	vld.idx.msk [tilespmem:v10+s13+$0x0], $0xffff;
	s3 =	rddreg [dreg:$0x7]  }
0x9e: {  	s1 =	sor.u32 $0x380, s1;
	[tilespmem:s29+$0xCC00] =	vst v0;
	s3 =	sadd.s32 @!p0 s24, s3  }
0x9f: {  	s0 =	sor.u32 $0x380, s0;
	s2 =	sor.u32 $0x380, s9;
	s3 =	sshrl.u32 @!p0 s3, $0x3;
	[tilespmem:s1+$0xCC00] =	vst v2  }
0xa0: {  	s9 =	sshrl.u32 s26, $0x3;
	s10 =	rddreg [dreg:$0x2];
	s1 =	smul.u32 @!p0 $0xC00, s3;
	[tilespmem:s2+$0xCC00] =	vst v4  }
0xa1: {  	s8 =	sor.u32 $0x380, s5;
	s25 =	smul.u32 $0xC00, s9;
	s2 =	rddreg [dreg:$0x0];
	[tilespmem:s0+$0xCC00] =	vst v1  }
0xa2: {  	s3 =	simm.s32 @!p0 $0xC00;
	s0 =	simm.s32 @!p0 $0x0;
	[tilespmem:s8+$0xCC00] =	vst v5;
	s1 =	sadd.s32 @!p0 s2, s1  }
0xa3: {  	[tilespmem:s3], [sflag:$0x1] =	stream.linear.gather @!p0 [hbm4b:s1+s0], $0x6000, $0x38;
	[tilespmem:$0x18C00] =	vst v63  }
0xa4: {  	s11 =	simm.s32 $0xCC00;
	s0 =	sadd.s32 s10, s25  }
0xa5: {  	[hbm4b:s0+s6] =	stream.linear.scatter [tilespmem:s11], [sflag:$0x3], $0x6000, $0x38;
	[tilespmem:$0x18C00] =	vst v63  }
0xa6: {  	_ =	swait.ge [sflag:s18], $0x6000  }
0xa7: {  	[sflag:s18] =	ssyncset.done $0x0  }
0xa8: {  	s12 =	simm.s32 $0x0;
	s0 =	simm.s32 @!p1 $0x4;
	[sflag:s18] =	ssyncadd.s32 $0xFFFFA000  }
0xa9: {  	s15 =	sand.u32 $0x40, s12;
	_ =	swait.ge @!p1 [sflag:s0], $0x6000  }
0xaa: {  	s17 =	sand.u32 $0xF80, s12;
	s19 =	sor.u32 $0x30, s15;
	[sflag:s0] =	ssyncset.done @!p1 $0x0  }
0xab: {  	s20 =	sor.u32 s19, s17;
	[sflag:s0] =	ssyncadd.s32 @!p1 $0xFFFFA000  }
0xac: {  	v0 =	vld [tilespmem:s20+$0x0]  }
0xad: {  	s21 =	sor.u32 $0x10, s15;
	v1 =	vld [tilespmem:s12+$0x0]  }
0xae: {  	s22 =	sor.u32 $0x20, s15;
	s26 =	sor.u32 s21, s17  }
0xaf: {  	s3 =	sor.u32 s22, s17;
	v2 =	vld [tilespmem:s26+$0x0]  }
0xb0: {  	v3 =	vld [tilespmem:s3+$0x0]  }
0xb1: {  	v4 =	vshll.u32 v0, $0x3  }
0xb2: {  	v5 =	vshll.u32 v1, $0x3;
	v0 =	vand.u32 $0x7F, v0;
	v4 =	vand.u32 $0xFFFFFC00, v4  }
0xb3: {  	v1 =	vand.u32 $0x7F, v1;
	v6 =	vand.u32 $0xFFFFFC00, v5;
	v5 =	vor.u32 v0, v4  }
0xb4: {  	v0 =	vor.u32 v1, v6;
	v1 =	vshll.u32 v2, $0x3  }
0xb5: {  	v4 =	vshll.u32 v3, $0x3;
	v2 =	vand.u32 $0x7F, v2;
	v1 =	vand.u32 $0xFFFFFC00, v1  }
0xb6: {  	v6 =	vand.u32 $0xFFFFFC00, v4;
	v4 =	vor.u32 v2, v1;
	v1 =	vand.u32 $0x7F, v3  }
0xb7: {  	v3 =	vor.u32 v1, v6  }
0xb8: {  	v1 =	vld.idx.msk [tilespmem:v5+s14+$0x0], $0xffff  }
0xb9: {  	v6 =	vor.u32 $0x80, v5;
	v2 =	vld.idx.msk [tilespmem:v0+s14+$0x0], $0xffff  }
0xba: {  	s1 =	sand.u32 $0x7C00, s12;
	v7 =	vor.u32 $0x80, v0  }
0xbb: {  	s1 =	sadd.s32 $0x12C00, s1;
	v8 =	vld.idx.msk [tilespmem:v4+s14+$0x0], $0xffff  }
0xbc: {  	s3 =	sor.u32 s19, s1;
	v9 =	vor.u32 $0x80, v4;
	v10 =	vld.idx.msk [tilespmem:v3+s14+$0x0], $0xffff  }
0xbd: {  	s0 =	sor.u32 s15, s1;
	v11 =	vor.u32 $0x80, v3;
	[tilespmem:s3+$0x0] =	vst v1  }
0xbe: {  	[tilespmem:s0+$0x0] =	vst v2;
	v1 =	vld.idx.msk [tilespmem:v6+s14+$0x0], $0xffff  }
0xbf: {  	s9 =	sor.u32 s21, s1;
	v2 =	vld.idx.msk [tilespmem:v7+s14+$0x0], $0xffff;
	v6 =	vor.u32 $0x100, v5  }
0xc0: {  	s7 =	sor.u32 s22, s1;
	v7 =	vor.u32 $0x100, v0;
	[tilespmem:s9+$0x0] =	vst v8  }
0xc1: {  	v8 =	vld.idx.msk [tilespmem:v9+s14+$0x0], $0xffff;
	[tilespmem:s7+$0x0] =	vst v10  }
0xc2: {  	v9 =	vor.u32 $0x100, v4;
	v10 =	vld.idx.msk [tilespmem:v11+s14+$0x0], $0xffff  }
0xc3: {  	v11 =	vor.u32 $0x100, v3;
	[tilespmem:s3+$0x80] =	vst v1  }
0xc4: {  	[tilespmem:s0+$0x80] =	vst v2;
	v1 =	vld.idx.msk [tilespmem:v6+s14+$0x0], $0xffff  }
0xc5: {  	v2 =	vld.idx.msk [tilespmem:v7+s14+$0x0], $0xffff;
	v6 =	vor.u32 $0x180, v5  }
0xc6: {  	v7 =	vor.u32 $0x180, v0;
	[tilespmem:s9+$0x80] =	vst v8  }
0xc7: {  	v8 =	vld.idx.msk [tilespmem:v9+s14+$0x0], $0xffff;
	[tilespmem:s7+$0x80] =	vst v10  }
0xc8: {  	s26 =	simm.s32 $0x40;
	v9 =	vor.u32 $0x180, v4;
	v10 =	vld.idx.msk [tilespmem:v11+s14+$0x0], $0xffff  }
0xc9: {  	s15 =	sand.u32 $0x40, s26;
	v11 =	vld [tilespmem:s26+$0x0];
	[tilespmem:s3+$0x100] =	vst v1  }
0xca: {  	s22 =	sand.u32 $0xF80, s26;
	s4 =	sor.u32 $0x30, s15;
	[tilespmem:s0+$0x100] =	vst v2;
	v1 =	vld.idx.msk [tilespmem:v6+s14+$0x0], $0xffff  }
0xcb: {  	s10 =	sor.u32 s4, s22;
	v2 =	vor.u32 $0x180, v3;
	v6 =	vld.idx.msk [tilespmem:v7+s14+$0x0], $0xffff  }
0xcc: {  	s11 =	sor.u32 $0x10, s15;
	v7 =	vor.u32 $0x200, v5;
	[tilespmem:s9+$0x100] =	vst v8;
	v8 =	vld [tilespmem:s10+$0x0]  }
0xcd: {  	s12 =	sor.u32 $0x20, s15;
	s10 =	sor.u32 s11, s22;
	v9 =	vld.idx.msk [tilespmem:v9+s14+$0x0], $0xffff  }
0xce: {  	s1 =	sor.u32 s12, s22;
	v12 =	vor.u32 $0x200, v4;
	v13 =	vld [tilespmem:s10+$0x0];
	v14 =	vshll.u32 v11, $0x3  }
0xcf: {  	v15 =	vld [tilespmem:s1+$0x0];
	[tilespmem:s7+$0x100] =	vst v10;
	v10 =	vor.u32 $0x200, v0;
	v11 =	vand.u32 $0x7F, v11;
	v14 =	vand.u32 $0xFFFFFC00, v14  }
0xd0: {  	p1 =	por $0x0, $0x0;
	s1 =	simm.s32 $0x1;
	v16 =	vld.idx.msk [tilespmem:v2+s14+$0x0], $0xffff;
	[tilespmem:s3+$0x180] =	vst v1;
	v1 =	vor.u32 v11, v14  }
0xd1: {  	s1 =	simm.s32 @!p1 $0x0;
	v11 =	vor.u32 $0x200, v3;
	v7 =	vld.idx.msk [tilespmem:v7+s14+$0x0], $0xffff;
	v2 =	vshll.u32 v8, $0x3  }
0xd2: {  	s1 =	sshll.u32 s1, $0x6;
	v8 =	vand.u32 $0x7F, v8;
	[tilespmem:s9+$0x180] =	vst v9;
	v2 =	vand.u32 $0xFFFFFC00, v2;
	v9 =	vor.u32 $0x280, v5  }
0xd3: {  	v14 =	vor.u32 $0x280, v4;
	[tilespmem:s0+$0x180] =	vst v6;
	s0 =	sadd.s32 $0x0, s1;
	v6 =	vld.idx.msk [tilespmem:v12+s14+$0x0], $0xffff;
	v12 =	vshll.u32 v13, $0x3;
	v2 =	vor.u32 v8, v2  }
0xd4: {  	s1 =	sadd.s32 $0x30, s0;
	v8 =	vld.idx.msk [tilespmem:v10+s14+$0x0], $0xffff;
	v10 =	vshll.u32 v15, $0x3;
	v13 =	vand.u32 $0x7F, v13;
	v12 =	vand.u32 $0xFFFFFC00, v12  }
0xd5: {  	s17 =	sor.u32 $0x200, s1;
	v10 =	vand.u32 $0xFFFFFC00, v10;
	[tilespmem:s7+$0x180] =	vst v16;
	v17 =	vld.idx.msk [tilespmem:v1+s14+$0x0], $0xffff;
	v21 =	vor.u32 v13, v12;
	v12 =	vand.u32 $0x7F, v15  }
0xd6: {  	s3 =	sadd.s32 $0x10, s0;
	v11 =	vld.idx.msk [tilespmem:v11+s14+$0x0], $0xffff;
	v10 =	vor.u32 v12, v10;
	[tilespmem:s17+$0x12C00] =	vst v7  }
0xd7: {  	s19 =	sor.u32 $0x200, s3;
	v7 =	vor.u32 $0x280, v0;
	v9 =	vld.idx.msk [tilespmem:v9+s14+$0x0], $0xffff  }
0xd8: {  	s28 =	simm.s32 $0x200;
	s20 =	sor.u32 $0x200, s0;
	v12 =	vor.u32 $0x280, v3;
	v13 =	vld.idx.msk [tilespmem:v2+s14+$0x0], $0xffff;
	[tilespmem:s19+$0x12C00] =	vst v6  }
0xd9: {  	s22 =	sand.u32 $0x7C00, s28;
	s17 =	sadd.s32 $0x20, s0;
	[tilespmem:s20+$0x12C00] =	vst v8;
	v8 =	vor.u32 $0x80, v1;
	v6 =	vld.idx.msk [tilespmem:v14+s14+$0x0], $0xffff  }
0xda: {  	s8 =	sadd.s32 $0x12C00, s22;
	s21 =	sor.u32 $0x200, s17;
	v14 =	vor.u32 $0x300, v5;
	v15 =	vld.idx.msk [tilespmem:v21+s14+$0x0], $0xffff  }
0xdb: {  	v16 =	vor.u32 $0x80, v2;
	s7 =	sor.u32 s15, s8;
	[tilespmem:s21+$0x12C00] =	vst v11;
	v18 =	vld.idx.msk [tilespmem:v10+s14+$0x0], $0xffff  }
0xdc: {  	s10 =	sor.u32 $0x280, s1;
	v19 =	vor.u32 $0x80, v21;
	[tilespmem:s7+$0x0] =	vst v17;
	v7 =	vld.idx.msk [tilespmem:v7+s14+$0x0], $0xffff  }
0xdd: {  	s20 =	sor.u32 s4, s8;
	v11 =	vor.u32 $0x80, v10;
	v12 =	vld.idx.msk [tilespmem:v12+s14+$0x0], $0xffff;
	[tilespmem:s10+$0x12C00] =	vst v9  }
0xde: {  	s15 =	sor.u32 s11, s8;
	s11 =	sor.u32 $0x280, s3;
	v9 =	vor.u32 $0x300, v4;
	[tilespmem:s20+$0x0] =	vst v13;
	v8 =	vld.idx.msk [tilespmem:v8+s14+$0x0], $0xffff  }
0xdf: {  	v13 =	vld.idx.msk [tilespmem:v14+s14+$0x0], $0xffff;
	v14 =	vor.u32 $0x300, v3;
	[tilespmem:s11+$0x12C00] =	vst v6  }
0xe0: {  	s2 =	sor.u32 s12, s8;
	v5 =	vor.u32 $0x380, v5;
	v16 =	vld.idx.msk [tilespmem:v16+s14+$0x0], $0xffff;
	[tilespmem:s15+$0x0] =	vst v15  }
0xe1: {  	s12 =	sor.u32 $0x280, s17;
	v17 =	vor.u32 $0x100, v2;
	v15 =	vld.idx.msk [tilespmem:v19+s14+$0x0], $0xffff;
	[tilespmem:s2+$0x0] =	vst v18  }
0xe2: {  	v18 =	vor.u32 $0x100, v1;
	[tilespmem:s12+$0x12C00] =	vst v12;
	v20 =	vld.idx.msk [tilespmem:v11+s14+$0x0], $0xffff  }
0xe3: {  	s19 =	sor.u32 $0x300, s1;
	v6 =	vor.u32 $0x100, v21;
	v22 =	vld.idx.msk [tilespmem:v9+s14+$0x0], $0xffff;
	[tilespmem:s7+$0x80] =	vst v8  }
0xe4: {  	v23 =	vor.u32 $0x100, v10;
	v14 =	vld.idx.msk [tilespmem:v14+s14+$0x0], $0xffff;
	[tilespmem:s19+$0x12C00] =	vst v13  }
0xe5: {  	[tilespmem:s20+$0x80] =	vst v16;
	v16 =	vor.u32 $0x300, v0;
	v24 =	vld.idx.msk [tilespmem:v5+s14+$0x0], $0xffff  }
0xe6: {  	v25 =	vor.u32 $0x380, v4;
	v19 =	vld.idx.msk [tilespmem:v17+s14+$0x0], $0xffff;
	[tilespmem:s15+$0x80] =	vst v15  }
0xe7: {  	s22 =	sor.u32 $0x300, s3;
	v4 =	vor.u32 $0x380, v21;
	v17 =	vld.idx.msk [tilespmem:v18+s14+$0x0], $0xffff;
	[tilespmem:s2+$0x80] =	vst v20  }
0xe8: {  	s21 =	sor.u32 $0x280, s0;
	v11 =	vor.u32 $0x200, v21;
	v8 =	vor.u32 $0x280, v21;
	v18 =	vld.idx.msk [tilespmem:v6+s14+$0x0], $0xffff;
	[tilespmem:s22+$0x12C00] =	vst v22;
	v22 =	vor.u32 $0x180, v2  }
0xe9: {  	s31 =	simm.s32 $0x4;
	s29 =	sor.u32 $0x380, s0;
	[tilespmem:s21+$0x12C00] =	vst v7;
	v13 =	vor.u32 $0x180, v21;
	v6 =	vor.u32 $0x300, v21;
	v21 =	vor.u32 $0x180, v1;
	v20 =	vld.idx.msk [tilespmem:v23+s14+$0x0], $0xffff  }
0xea: {  	s3 =	sor.u32 $0x380, s3;
	s30 =	sor.u32 $0x380, s17;
	s1 =	sor.u32 $0x380, s1;
	v3 =	vor.u32 $0x380, v3;
	v12 =	vor.u32 $0x180, v10;
	v7 =	vor.u32 $0x280, v10;
	v15 =	vld.idx.msk [tilespmem:v16+s14+$0x0], $0xffff  }
0xeb: {  	s8 =	sor.u32 $0x300, s0;
	s0 =	simm.s32 $0x80;
	s11 =	sor.u32 $0x300, s17;
	v9 =	vor.u32 $0x200, v10;
	v5 =	vor.u32 $0x300, v10;
	v10 =	vor.u32 $0x380, v10;
	v16 =	vld.idx.msk [tilespmem:v25+s14+$0x0], $0xffff;
	[tilespmem:s1+$0x12C00] =	vst v24  }
.LBB2_5:
0xec: {  	v23 =	vld [tilespmem:s0+$0x0];
	[tilespmem:s20+$0x100] =	vst v19;
	s26 =	sadd.s32 $0x40, s26  }
0xed: {  	s31 =	sadd.s32 $0x4, s31;
	s21 =	sand.u32 $0x40, s26;
	[tilespmem:s7+$0x100] =	vst v17;
	v17 =	vld.idx.msk [tilespmem:v22+s14+$0x0], $0xffff  }
0xee: {  	s1 =	sand.u32 $0xF80, s26;
	p2 =	slt.u32 s31, $0xBC;
	s22 =	sor.u32 $0x30, s21;
	v19 =	vld.idx.msk [tilespmem:v21+s14+$0x0], $0xffff;
	[tilespmem:s15+$0x100] =	vst v18  }
0xef: {  	s17 =	sor.u32 $0x10, s21;
	s4 =	sor.u32 $0x20, s21;
	v18 =	vor.u32 $0x200, v2;
	s5 =	sor.u32 s22, s1;
	v13 =	vld.idx.msk [tilespmem:v13+s14+$0x0], $0xffff;
	[tilespmem:s2+$0x100] =	vst v20  }
0xf0: {  	v21 =	vor.u32 $0x200, v1;
	s9 =	sor.u32 s17, s1;
	s1 =	sor.u32 s4, s1;
	v20 =	vld [tilespmem:s5+$0x0];
	[tilespmem:s11+$0x12C00] =	vst v14  }
0xf1: {  	v14 =	vld [tilespmem:s9+$0x0];
	[tilespmem:s8+$0x12C00] =	vst v15  }
0xf2: {  	v15 =	vshll.u32 v23, $0x3;
	v22 =	vld [tilespmem:s1+$0x0];
	[tilespmem:s3+$0x12C00] =	vst v16  }
0xf3: {  	v16 =	vand.u32 $0x7F, v23;
	v15 =	vand.u32 $0xFFFFFC00, v15;
	v12 =	vld.idx.msk [tilespmem:v12+s14+$0x0], $0xffff;
	[tilespmem:s20+$0x180] =	vst v17;
	v17 =	vor.u32 $0x380, v0;
	v0 =	vmovc v1  }
0xf4: {  	p1 =	por !p1, !p1;
	s1 =	simm.s32 $0x1;
	v1 =	vor.u32 v16, v15;
	[tilespmem:s7+$0x180] =	vst v19;
	v15 =	vld.idx.msk [tilespmem:v18+s14+$0x0], $0xffff  }
0xf5: {  	s1 =	simm.s32 @!p1 $0x0;
	v16 =	vshll.u32 v20, $0x3;
	v18 =	vld.idx.msk [tilespmem:v21+s14+$0x0], $0xffff;
	[tilespmem:s15+$0x180] =	vst v13  }
0xf6: {  	s1 =	sshll.u32 s1, $0x6;
	v13 =	vand.u32 $0x7F, v20;
	v16 =	vand.u32 $0xFFFFFC00, v16;
	v19 =	vld.idx.msk [tilespmem:v11+s14+$0x0], $0xffff;
	v11 =	vor.u32 $0x280, v2  }
0xf7: {  	s7 =	sadd.s32 s1, s28;
	v20 =	vshll.u32 v14, $0x3;
	v21 =	vshll.u32 v22, $0x3;
	v16 =	vor.u32 v13, v16;
	v23 =	vld.idx.msk [tilespmem:v3+s14+$0x0], $0xffff;
	v3 =	vmovc v10  }
0xf8: {  	s3 =	sadd.s32 $0x10, s7;
	s12 =	sadd.s32 $0x20, s7;
	s19 =	sadd.s32 $0x30, s7;
	v10 =	vand.u32 $0x7F, v14;
	v13 =	vand.u32 $0xFFFFFC00, v20;
	v14 =	vand.u32 $0xFFFFFC00, v21;
	v17 =	vld.idx.msk [tilespmem:v17+s14+$0x0], $0xffff  }
0xf9: {  	s15 =	sor.u32 $0x200, s3;
	s1 =	sor.u32 $0x200, s19;
	v10 =	vor.u32 v10, v13;
	v13 =	vand.u32 $0x7F, v22;
	v21 =	vor.u32 $0x280, v0;
	v20 =	vld.idx.msk [tilespmem:v1+s14+$0x0], $0xffff;
	[tilespmem:s2+$0x180] =	vst v12;
	s2 =	sor.u32 $0x200, s12  }
0xfa: {  	s5 =	sor.u32 $0x200, s7;
	s10 =	sor.u32 $0x280, s3;
	s9 =	sor.u32 $0x280, s12;
	v22 =	vor.u32 $0x80, v10;
	v24 =	vor.u32 $0x100, v10;
	v14 =	vor.u32 v13, v14;
	v25 =	vld.idx.msk [tilespmem:v9+s14+$0x0], $0xffff;
	[tilespmem:s1+$0x12C00] =	vst v15  }
0xfb: {  	s11 =	sor.u32 $0x300, s12;
	v13 =	vor.u32 $0x180, v10;
	v15 =	vor.u32 $0x80, v14;
	v26 =	vor.u32 $0x100, v14;
	s1 =	sor.u32 $0x300, s3;
	[tilespmem:s5+$0x12C00] =	vst v18;
	s5 =	sor.u32 $0x280, s7;
	v18 =	vld.idx.msk [tilespmem:v11+s14+$0x0], $0xffff  }
0xfc: {  	s8 =	sor.u32 $0x300, s7;
	s12 =	sor.u32 $0x380, s12;
	v12 =	vor.u32 $0x180, v14;
	v9 =	vor.u32 $0x200, v14;
	s3 =	sor.u32 $0x380, s3;
	v11 =	vor.u32 $0x200, v10;
	v27 =	vld.idx.msk [tilespmem:v16+s14+$0x0], $0xffff;
	[tilespmem:s15+$0x12C00] =	vst v19  }
0xfd: {  	v29 =	vor.u32 $0x300, v2;
	s7 =	sor.u32 $0x380, s7;
	v19 =	vor.u32 $0x280, v14;
	v28 =	vld.idx.msk [tilespmem:v8+s14+$0x0], $0xffff;
	v8 =	vor.u32 $0x280, v10;
	[tilespmem:s30+$0x12C00] =	vst v23;
	s30 =	smov.u32 s12  }
0xfe: {  	s28 =	sadd.s32 $0x200, s28;
	v32 =	vor.u32 $0x80, v16;
	v30 =	vor.u32 $0x300, v10;
	v31 =	vor.u32 $0x300, v14;
	v23 =	vld.idx.msk [tilespmem:v10+s14+$0x0], $0xffff;
	[tilespmem:s29+$0x12C00] =	vst v17;
	s29 =	smov.u32 s7  }
0xff: {  	v33 =	vor.u32 $0x380, v10;
	s7 =	sand.u32 $0x7C00, s28;
	v17 =	vor.u32 $0x80, v1;
	v10 =	vor.u32 $0x380, v14;
	v34 =	vld.idx.msk [tilespmem:v14+s14+$0x0], $0xffff  }
0x100: {  	s12 =	sadd.s32 $0x12C00, s7;
	v35 =	vld.idx.msk [tilespmem:v21+s14+$0x0], $0xffff;
	[tilespmem:s2+$0x12C00] =	vst v25;
	s2 =	sor.u32 $0x280, s19  }
0x101: {  	s7 =	sor.u32 s21, s12;
	s15 =	sor.u32 s17, s12;
	s20 =	sor.u32 s22, s12;
	v14 =	vld.idx.msk [tilespmem:v7+s14+$0x0], $0xffff;
	[tilespmem:s2+$0x12C00] =	vst v18;
	v7 =	vmov v19  }
0x102: {  	s2 =	sor.u32 s4, s12;
	[tilespmem:s20+$0x0] =	vst v27;
	v18 =	vld.idx.msk [tilespmem:v29+s14+$0x0], $0xffff  }
0x103: {  	[tilespmem:s7+$0x0] =	vst v20;
	v19 =	vld.idx.msk [tilespmem:v32+s14+$0x0], $0xffff  }
0x104: {  	v20 =	vor.u32 $0x380, v2;
	v2 =	vmov v16;
	v17 =	vld.idx.msk [tilespmem:v17+s14+$0x0], $0xffff;
	[tilespmem:s15+$0x0] =	vst v23  }
0x105: {  	v21 =	vor.u32 $0x100, v2;
	v16 =	vld.idx.msk [tilespmem:v22+s14+$0x0], $0xffff;
	[tilespmem:s2+$0x0] =	vst v34  }
0x106: {  	v22 =	vor.u32 $0x100, v1;
	v15 =	vld.idx.msk [tilespmem:v15+s14+$0x0], $0xffff;
	[tilespmem:s10+$0x12C00] =	vst v28  }
0x107: {  	s4 =	sor.u32 $0x300, s19;
	v23 =	vld.idx.msk [tilespmem:v6+s14+$0x0], $0xffff;
	[tilespmem:s9+$0x12C00] =	vst v14;
	v6 =	vmov v30  }
0x108: {  	v14 =	vld.idx.msk [tilespmem:v5+s14+$0x0], $0xffff;
	[tilespmem:s4+$0x12C00] =	vst v18;
	v5 =	vmov v31  }
0x109: {  	v25 =	vor.u32 $0x300, v0;
	[tilespmem:s20+$0x80] =	vst v19;
	v27 =	vld.idx.msk [tilespmem:v20+s14+$0x0], $0xffff  }
0x10a: {  	[tilespmem:s7+$0x80] =	vst v17;
	v19 =	vld.idx.msk [tilespmem:v21+s14+$0x0], $0xffff  }
.Ltmp1:
0x10b: {  	v17 =	vld.idx.msk [tilespmem:v22+s14+$0x0], $0xffff;
	[tilespmem:s15+$0x80] =	vst v16;
	(pc) =	sbr.rel @p2 .LBB2_5-.Ltmp1, $4  }
0x10c: {  	v22 =	vor.u32 $0x180, v2;
	v18 =	vld.idx.msk [tilespmem:v24+s14+$0x0], $0xffff;
	[tilespmem:s2+$0x80] =	vst v15  }
0x10d: {  	v21 =	vor.u32 $0x180, v1;
	v20 =	vld.idx.msk [tilespmem:v26+s14+$0x0], $0xffff;
	[tilespmem:s5+$0x12C00] =	vst v35  }
0x10e: {  	v15 =	vld.idx.msk [tilespmem:v25+s14+$0x0], $0xffff;
	[tilespmem:s1+$0x12C00] =	vst v23;
	s1 =	sor.u32 $0x380, s19  }
0x10f: {  	s0 =	sadd.s32 $0x40, s0;
	v16 =	vld.idx.msk [tilespmem:v4+s14+$0x0], $0xffff;
	[tilespmem:s1+$0x12C00] =	vst v27;
	v4 =	vmov v33  }
0x110: {  	_ =	sdelay $0x2  }
0x111: {  	[tilespmem:s20+$0x100] =	vst v19  }
0x112: {  	[tilespmem:s7+$0x100] =	vst v17;
	v19 =	vld.idx.msk [tilespmem:v22+s14+$0x0], $0xffff  }
0x113: {  	v53 =	vor.u32 $0x200, v2;
	[tilespmem:s15+$0x100] =	vst v18;
	v17 =	vld.idx.msk [tilespmem:v21+s14+$0x0], $0xffff  }
0x114: {  	v54 =	vor.u32 $0x200, v1;
	v13 =	vld.idx.msk [tilespmem:v13+s14+$0x0], $0xffff;
	[tilespmem:s2+$0x100] =	vst v20  }
0x115: {  	v12 =	vld.idx.msk [tilespmem:v12+s14+$0x0], $0xffff;
	_ =	sdelay $0x1  }
0x116: {  	p1 =	por !p1, !p1;
	s0 =	simm.s32 $0x1;
	[tilespmem:s20+$0x180] =	vst v19  }
0x117: {  	s0 =	simm.s32 @!p1 $0x0;
	[tilespmem:s7+$0x180] =	vst v17;
	v18 =	vld.idx.msk [tilespmem:v53+s14+$0x0], $0xffff  }
0x118: {  	v55 =	vor.u32 $0x280, v2;
	s0 =	sshll.u32 s0, $0x6;
	[tilespmem:s15+$0x180] =	vst v13;
	v56 =	vld.idx.msk [tilespmem:v54+s14+$0x0], $0xffff  }
0x119: {  	v57 =	vor.u32 $0x280, v1;
	s0 =	sadd.s32 s0, s28;
	v11 =	vld.idx.msk [tilespmem:v11+s14+$0x0], $0xffff;
	[tilespmem:s2+$0x180] =	vst v12  }
0x11a: {  	s1 =	sadd.s32 $0x30, s0;
	v9 =	vld.idx.msk [tilespmem:v9+s14+$0x0], $0xffff  }
0x11b: {  	[tilespmem:s11+$0x12C00] =	vst v14;
	s4 =	sor.u32 $0x200, s1  }
0x11c: {  	s31 =	sadd.s32 $0x10, s0;
	s12 =	sor.u32 $0x200, s0;
	[tilespmem:s4+$0x12C00] =	vst v18  }
0x11d: {  	v0 =	vor.u32 $0x380, v0;
	s5 =	sadd.s32 $0x20, s0;
	s9 =	sor.u32 $0x200, s31;
	[tilespmem:s12+$0x12C00] =	vst v56;
	v13 =	vld.idx.msk [tilespmem:v55+s14+$0x0], $0xffff  }
0x11e: {  	v58 =	vor.u32 $0x300, v2;
	s10 =	sor.u32 $0x200, s5;
	[tilespmem:s9+$0x12C00] =	vst v11;
	v59 =	vld.idx.msk [tilespmem:v57+s14+$0x0], $0xffff  }
0x11f: {  	v60 =	vor.u32 $0x300, v1;
	v8 =	vld.idx.msk [tilespmem:v8+s14+$0x0], $0xffff;
	[tilespmem:s10+$0x12C00] =	vst v9  }
0x120: {  	[tilespmem:s8+$0x12C00] =	vst v15;
	v7 =	vld.idx.msk [tilespmem:v7+s14+$0x0], $0xffff  }
0x121: {  	v3 =	vld.idx.msk [tilespmem:v3+s14+$0x0], $0xffff;
	[tilespmem:s3+$0x12C00] =	vst v16;
	s15 =	sor.u32 $0x280, s1  }
0x122: {  	v0 =	vld.idx.msk [tilespmem:v0+s14+$0x0], $0xffff;
	s20 =	sor.u32 $0x280, s0;
	[tilespmem:s15+$0x12C00] =	vst v13  }
0x123: {  	s17 =	sor.u32 $0x280, s31;
	[tilespmem:s20+$0x12C00] =	vst v59;
	v11 =	vld.idx.msk [tilespmem:v58+s14+$0x0], $0xffff  }
0x124: {  	v61 =	vor.u32 $0x380, v2;
	s19 =	sor.u32 $0x280, s5;
	[tilespmem:s17+$0x12C00] =	vst v8;
	v62 =	vld.idx.msk [tilespmem:v60+s14+$0x0], $0xffff  }
0x125: {  	v63 =	vor.u32 $0x380, v1;
	v6 =	vld.idx.msk [tilespmem:v6+s14+$0x0], $0xffff;
	[tilespmem:s19+$0x12C00] =	vst v7  }
0x126: {  	[tilespmem:s30+$0x12C00] =	vst v3;
	v5 =	vld.idx.msk [tilespmem:v5+s14+$0x0], $0xffff  }
0x127: {  	s21 =	sor.u32 $0x300, s1;
	[tilespmem:s29+$0x12C00] =	vst v0  }
0x128: {  	s28 =	sor.u32 $0x300, s0;
	[tilespmem:s21+$0x12C00] =	vst v11  }
0x129: {  	s22 =	sor.u32 $0x300, s31;
	[tilespmem:s28+$0x12C00] =	vst v62;
	v2 =	vld.idx.msk [tilespmem:v61+s14+$0x0], $0xffff  }
0x12a: {  	s26 =	sor.u32 $0x300, s5;
	[tilespmem:s22+$0x12C00] =	vst v6;
	v1 =	vld.idx.msk [tilespmem:v63+s14+$0x0], $0xffff  }
0x12b: {  	v4 =	vld.idx.msk [tilespmem:v4+s14+$0x0], $0xffff;
	[tilespmem:s26+$0x12C00] =	vst v5  }
0x12c: {  	v5 =	vld.idx.msk [tilespmem:v10+s14+$0x0], $0xffff;
	s3 =	rddreg [dreg:$0x8]  }
0x12d: {  	s1 =	sor.u32 $0x380, s1;
	s3 =	sadd.s32 @!p0 s24, s3  }
0x12e: {  	s0 =	sor.u32 $0x380, s0;
	[tilespmem:s1+$0x12C00] =	vst v2;
	s1 =	sshrl.u32 @!p0 s3, $0x3  }
0x12f: {  	s2 =	sor.u32 $0x380, s31;
	[tilespmem:s0+$0x12C00] =	vst v1;
	s1 =	smul.u32 @!p0 $0xC00, s1  }
0x130: {  	s23 =	sadd.s32 $0x1, s23;
	s29 =	sor.u32 $0x380, s5;
	s0 =	rddreg [dreg:$0x0];
	[tilespmem:s2+$0x12C00] =	vst v4  }
0x131: {  	s2 =	simm.s32 @!p0 $0x6C00;
	[tilespmem:s29+$0x12C00] =	vst v5;
	s0 =	sadd.s32 @!p0 s0, s1;
	s1 =	simm.s32 @!p0 $0x0  }
0x132: {  	[tilespmem:s2], [sflag:$0x2] =	stream.linear.gather @!p0 [hbm4b:s0+s1], $0x6000, $0x38;
	[tilespmem:$0x18C00] =	vst v63  }
0x133: {  	p0 =	sne.s32 s23, $0x10  }
.Ltmp2:
0x134: {  	_ = 	snop;
	(pc) =	sbr.rel @p0 .LBB2_2-.Ltmp2, $4  }
0x135: {  	_ = 	snop  }
0x136: {  	s30 =	rddreg [dreg:$0xa]  }
0x137: {  	s31 =	simm.s32 $0x12C00;
	s0 =	sadd.s32 s30, s25  }
0x138: {  	[hbm4b:s0+s6] =	stream.linear.scatter [tilespmem:s31], [sflag:$0x4], $0x6000, $0x38;
	[tilespmem:$0x18C00] =	vst v63  }
0x139: {  	s0 =	simm.s32 $0x3  }
0x13a: {  	_ =	swait.ge [sflag:s0], $0x6000  }
0x13b: {  	[sflag:s0] =	ssyncset.done $0x0  }
0x13c: {  	s1 =	simm.s32 $0x4;
	[sflag:s0] =	ssyncadd.s32 $0xFFFFA000  }
0x13d: {  	_ =	swait.ge [sflag:s1], $0x6000  }
0x13e: {  	s2 =	rddreg [dreg:$0xb]  }
0x13f: {  	s31 =	rddreg [dreg:$0x9];
	s2 =	sadd.s32 $0x1, s2  }
0x140: {  	p0 =	sne.s32 s2, s31  }
.Ltmp3:
0x141: {  	_ = 	snop;
	(pc) =	sbr.rel @p0 .LBB2_1-.Ltmp3, $3  }
0x142: {  	_ =	sdelay $0x1  }
0x143: {  	[sflag:s1] =	ssyncset.done $0x0  }
0x144: {  	[sflag:s1] =	ssyncadd.s32 $0xFFFFA000  }
0x145: {  	_ =	sfence.sel $0x180000  }
0x146: {  	[bflag:$0x0] =	sbarrier.arrive $0xFFFF  }
0x147: {  	_ =	strace $0x90000047  }
0x148: {  	s0 =	stileid.u32;
	[bflag:$0x2] =	sbarrier.arrive $0xFFFF  }
0x149: {  	p0 =	sne.s32 s0, $0x0;
	s0 =	rddreg [dreg:$0x3]  }
0x14a: {  	s0 =	sadd.s32 @!p0 $0x100000, s0  }
0x14b: {  	[sflag:s0] =	ssyncadd.tile.s32 @!p0 $0x1;
	_ =	shalt  }
.Lfunc_end2:
_tile_overlayer_lowered:
.L_overlay_start_2:
0x14c: {  	(tag) =	ssettag $0x2  }
0x14d: {  	s0 =	rddreg [dreg:$0x0];
	s2 =	stileid.u32  }
0x14e: {  	s1 =	rddreg [dreg:$0x1];
	p0 =	sne.s32 s2, $0x0  }
0x14f: {  	s3 =	rddreg [dreg:$0x2];
	[bflag:$0x3] =	sbarrier.arrive $0xFFFF;
	s2 =	simm.s32 @!p0 $0x1C05  }
0x150: {  	[timem:s3], [sflag:s2] =	dma.local @!p0 [hbm:s0], s1  }
0x151: {  	s0 =	simm.s32 @!p0 $0x5  }
0x152: {  	_ =	swait.ge @!p0 [sflag:s0], s1  }
0x153: {  	s1 =	ssub.s32 @!p0 $0x0, s1;
	[sflag:s0] =	ssyncset.done @!p0 $0x0  }
0x154: {  	[sflag:s0] =	ssyncadd.s32 @!p0 s1  }
0x155: {  	[bflag:$0x3] =	sbarrier.arrive $0xFFFF  }
0x156: {  	_ =	shalt  }

</sc_bundles>
